<compile_context>
chip_gen: v7x
topology: tpu7x:2x2x1
jax: 0.10.2.dev20260603
libtpu: 0.0.44.dev20260713+nightly
codegen_flags: <defaults>
</compile_context>

<pallas_src>
import functools

import numpy as np
import jax
import jax.numpy as jnp
from jax import lax
from jax.experimental import pallas as pl
from jax.experimental.pallas import tpu as pltpu
from jax.experimental.pallas import tpu_sc as plsc

R_C = 6.0

NC = 2
NS = 16
NW = NC * NS

CHUNK = 1568
RW = 8
NBUF = 4

BA = 1568


def _sc_gather_body(n_chunks, aw, nn, packed_hbm, nbr_hbm, out_hbm,
                    idx_v, buf, gs0, gs1, gs2, gs3, os0, os1, os2, os3):
    gsem = (gs0, gs1, gs2, gs3)
    osem = (os0, os1, os2, os3)
    ca = CHUNK // nn
    wid = lax.axis_index("s") * NC + lax.axis_index("c")
    arow = wid * aw
    pltpu.sync_copy(nbr_hbm.at[pl.ds(arow * nn, aw * nn)], idx_v)
    idxf = idx_v

    def fire(sg, b):
        pltpu.async_copy(
            packed_hbm.at[idxf.at[pl.ds(sg * CHUNK, CHUNK)]],
            buf.at[b], gsem[b])

    def out_slice(e0):
        return out_hbm.at[pl.ds(e0, CHUNK), :]

    def drain_out(b):
        pltpu.make_async_copy(buf.at[b], out_slice(arow * nn), osem[b]).wait()

    for b in range(NBUF - 1):
        fire(b, b)

    def it(j, carry):
        for b in range(NBUF):
            sg = NBUF * j + b
            nb = (b + NBUF - 1) % NBUF
            pltpu.make_async_copy(
                buf.at[b], out_slice(arow * nn), gsem[b]).wait()
            pltpu.async_copy(
                buf.at[b], out_slice((arow + sg * ca) * nn), osem[b])
            sgf = sg + NBUF - 1

            @pl.when(sgf < n_chunks)
            def _fire_next():
                @pl.when(sgf >= NBUF)
                def _wait_buf_free():
                    drain_out(nb)
                fire(sgf, nb)
        return carry

    lax.fori_loop(0, n_chunks // NBUF, it, 0)
    for b in range(NBUF):
        drain_out(b)


def _make_sc_gather(aw, nn):
    n_chunks = aw * nn // CHUNK
    mesh = plsc.VectorSubcoreMesh(
        core_axis_name="c", subcore_axis_name="s",
        num_cores=NC, num_subcores=NS)
    return pl.kernel(
        functools.partial(_sc_gather_body, n_chunks, aw, nn),
        out_type=jax.ShapeDtypeStruct((NW * aw * nn, RW), jnp.float32),
        mesh=mesh,
        scratch_types=[
            pltpu.VMEM((aw * nn,), jnp.int32),
            pltpu.VMEM((NBUF, CHUNK, RW), jnp.float32),
        ] + [pltpu.SemaphoreType.DMA] * (2 * NBUF),
        compiler_params=pltpu.CompilerParams(use_tc_tiling_on_sc=False),
    )


def _cos_pi_coeffs():
    t = np.linspace(0, 1.02, 4001)
    a = np.polynomial.polynomial.polyfit(t * t, np.cos(np.pi * t), 6)
    return [float(c) for c in a]


_COS_A = _cos_pi_coeffs()


def _tc_body(g_ref, o_ref, p_ref, t_ref, cstack_ref, fold_ref, i96_ref,
             itj_ref, ip3_ref, ir0_ref, ir1_ref, ir2_ref, out_ref, *, nn):
    hi = lax.Precision.HIGHEST
    ba = g_ref.shape[0]
    f32 = jnp.float32
    pj = g_ref[...]
    def lanes(src_arr, idx_ref, w):
        idx = jnp.broadcast_to(idx_ref[...], (ba, w))
        return jnp.take_along_axis(src_arr, idx, axis=1)

    half = RW * nn // 2
    pj_a, pj_b = pj[:, :half], pj[:, half:]
    pj96 = jnp.concatenate(
        [lanes(pj_a, i96_ref, 3 * nn // 2), lanes(pj_b, i96_ref, 3 * nn // 2)],
        axis=1)
    tj = jnp.concatenate(
        [lanes(pj_a, itj_ref, nn // 2), lanes(pj_b, itj_ref, nn // 2)], axis=1)
    pos3 = lanes(p_ref[...], ip3_ref, 3 * nn)
    v = pj96 + o_ref[...] - pos3
    v2 = v * v
    r2 = lanes(v2, ir0_ref, nn) + lanes(v2, ir1_ref, nn) + lanes(v2, ir2_ref, nn)
    r = jnp.sqrt(r2)
    t = r * (1.0 / R_C)
    t2 = t * t
    a = _COS_A
    cosv = a[6]
    for k in (5, 4, 3, 2, 1, 0):
        cosv = cosv * t2 + a[k]
    fc = jnp.where(t < 1.0, 0.5 * cosv + 0.5, 0.0)
    x = 2.0 * jnp.square(t - 1.0) - 1.0
    hf = 0.5 * fc
    f0 = hf + hf
    f1 = (x + 1.0) * hf
    c2 = 2.0 * x * x - 1.0
    f2 = (c2 + 1.0) * hf
    c3 = 2.0 * x * c2 - x
    f3 = (c3 + 1.0) * hf
    f4 = jnp.concatenate([f0, f1, f2, f3], axis=1)
    tj4 = jnp.tile(tj, (1, 4))
    cstack = cstack_ref[...]
    g_all = jnp.zeros((ba, 32), f32)
    for t_ in range(4):
        e_t = f4 * (tj4 == float(t_)).astype(f32)
        g_all = g_all + jnp.dot(
            e_t, cstack[t_ * 4 * nn:(t_ + 1) * 4 * nn, :], precision=hi)
    ti = t_ref[...]
    lane_u = (lax.broadcasted_iota(jnp.int32, (ba, 32), 1) // 8).astype(f32)
    gsel = g_all * (lane_u == ti).astype(f32)
    out_ref[...] = jnp.dot(gsel, fold_ref[...], precision=hi)


def kernel(types, positions, radial_neighbors, radial_offsets, c_table):
    n_atoms, nn = radial_neighbors.shape
    f32 = jnp.float32

    packed = jnp.concatenate(
        [positions.astype(f32), types.astype(f32)[:, None],
         jnp.zeros((n_atoms, RW - 4), f32)], axis=1)

    ca = CHUNK // nn
    aw = -(-n_atoms // (NW * ca * NBUF)) * (ca * NBUF)
    apad = NW * aw
    nbr_flat = radial_neighbors.astype(jnp.int32).reshape(-1)
    nbr_pad = jnp.concatenate(
        [nbr_flat, jnp.zeros(((apad - n_atoms) * nn,), jnp.int32)])

    gathered = _make_sc_gather(aw, nn)(packed, nbr_pad).reshape(apad, nn * RW)

    off2 = radial_offsets.astype(f32).reshape(n_atoms, nn * 3)
    tif = types.astype(f32)[:, None]
    call = jnp.transpose(c_table.astype(f32), (1, 3, 0, 2)).reshape(16, 32)
    cstack = jnp.repeat(call, nn, axis=0)
    fold = jnp.asarray(np.equal.outer(np.arange(32) % 8, np.arange(8))
                       .astype(np.float32))
    idx3 = np.arange(3 * nn // 2)
    i96 = jnp.asarray(((idx3 // 3) * RW + idx3 % 3)[None, :].astype(np.int32))
    itj = jnp.asarray((np.arange(nn // 2) * RW + 3)[None, :].astype(np.int32))
    idx3 = np.arange(3 * nn)
    ip3 = jnp.asarray((idx3 % 3)[None, :].astype(np.int32))
    ir0 = jnp.asarray((np.arange(nn) * 3)[None, :].astype(np.int32))
    ir1 = jnp.asarray((np.arange(nn) * 3 + 1)[None, :].astype(np.int32))
    ir2 = jnp.asarray((np.arange(nn) * 3 + 2)[None, :].astype(np.int32))

    nblk = apad // BA
    lanes = nn * RW
    out = pl.pallas_call(
        functools.partial(_tc_body, nn=nn),
        grid=(nblk,),
        in_specs=[
            pl.BlockSpec((BA, lanes), lambda b: (b, 0)),
            pl.BlockSpec((BA, nn * 3), lambda b: (b, 0)),
            pl.BlockSpec((BA, 3), lambda b: (b, 0)),
            pl.BlockSpec((BA, 1), lambda b: (b, 0)),
            pl.BlockSpec((16 * nn, 32), lambda b: (0, 0)),
            pl.BlockSpec((32, 8), lambda b: (0, 0)),
            pl.BlockSpec((1, 3 * nn // 2), lambda b: (0, 0)),
            pl.BlockSpec((1, nn // 2), lambda b: (0, 0)),
            pl.BlockSpec((1, 3 * nn), lambda b: (0, 0)),
            pl.BlockSpec((1, nn), lambda b: (0, 0)),
            pl.BlockSpec((1, nn), lambda b: (0, 0)),
            pl.BlockSpec((1, nn), lambda b: (0, 0)),
        ],
        out_specs=pl.BlockSpec((BA, 8), lambda b: (b, 0)),
        out_shape=jax.ShapeDtypeStruct((n_atoms, 8), f32),
    )(gathered, off2, positions.astype(f32), tif, cstack, fold,
      i96, itj, ip3, ir0, ir1, ir2)
    return out

# --- scband reference (transcript-rebuilt; emitter-appended) ---
"""Pipeline reference for scband-radial-descriptor-7249904796076 (READ-ONLY COPY).

The authoritative reference and input builder live on the scoring server;
editing this copy changes nothing except your own understanding.
"""

import jax, jax.numpy as jnp
import numpy as np

N_TYPES = 4
N_DESC = 8
K_MAX = 4
R_C = 6.0
N_ATOMS = 50000
NN = 32


def chebyshev_basis(r, r_c, k_max):
    fc = jnp.where(r < r_c, 0.5 * jnp.cos(jnp.pi * r / r_c) + 0.5, jnp.zeros_like(r))
    x = 2.0 * (r / r_c - 1.0) ** 2 - 1.0
    half_fc = 0.5 * fc
    fn = [jnp.ones_like(x)]
    if k_max > 1:
        fn.append(x)
        for _ in range(2, k_max):
            fn.append(2.0 * x * fn[-1] - fn[-2])
    fn = jnp.stack(fn, axis=-1)
    fn = (fn + 1.0) * half_fc[..., None]
    return fn


def setup_inputs(seed: int = 0) -> dict:
    key = jax.random.key(seed)
    k1, k2, k3, k4, k5 = jax.random.split(key, 5)
    types = jax.random.randint(k1, (N_ATOMS,), 0, N_TYPES, dtype=jnp.int64) if jax.config.jax_enable_x64 else jax.random.randint(k1, (N_ATOMS,), 0, N_TYPES).astype(jnp.int32)
    positions = jax.random.normal(k2, (N_ATOMS, 3), dtype=jnp.float32)
    radial_neighbors = jax.random.randint(k3, (N_ATOMS, NN), 0, N_ATOMS).astype(jnp.int32)
    radial_offsets = jax.random.normal(k4, (N_ATOMS, NN, 3), dtype=jnp.float32)
    c_table = jax.random.normal(k5, (N_TYPES, N_TYPES, N_DESC, K_MAX), dtype=jnp.float32)
    return {
        "types": types,
        "positions": positions,
        "radial_neighbors": radial_neighbors,
        "radial_offsets": radial_offsets,
        "c_table": c_table,
    }


def reference(types, positions, radial_neighbors, radial_offsets, c_table):
    n_atoms, nn_radial = radial_neighbors.shape
    mask = radial_neighbors != -1
    safe_neighbors = jnp.where(mask, radial_neighbors, 0)
    pos_i = positions[:, None, :]
    pos_j = jnp.take(positions, safe_neighbors, axis=0)
    r_vec = pos_j + radial_offsets.astype(positions.dtype) - pos_i
    distances = jnp.linalg.norm(r_vec, axis=-1)
    f = chebyshev_basis(distances, R_C, K_MAX)
    type_i = jnp.broadcast_to(types[:, None], (n_atoms, nn_radial))
    type_j = jnp.take(types, safe_neighbors, axis=0)
    coeff = c_table[type_i, type_j]
    edge_desc = jnp.sum(coeff * f[:, :, None, :], axis=-1)
    edge_desc = edge_desc * mask[..., None].astype(edge_desc.dtype)
    g = jnp.sum(edge_desc, axis=1)
    return g

if __name__ == "__main__":
    import jax
    _d = setup_inputs()
    print(jax.jit(kernel)(*tuple(_d.values())))

</pallas_src>

<mosaic_0001>
#map = affine_map<(d0, d1) -> (0, 0)>
#map1 = affine_map<(d0, d1) -> (0)>
module attributes {stable_mosaic.version = 14 : i64} {
  func.func @_sc_gather_body(%arg0: i32, %arg1: i32, %arg2: memref<50000x8xf32, #tpu.memory_space<hbm>>, %arg3: memref<1605632xi32, #tpu.memory_space<hbm>>, %arg4: memref<1605632x8xf32, #tpu.memory_space<hbm>>, %arg5: memref<50176xi32, #tpu.memory_space<vmem>>, %arg6: memref<4x1568x8xf32, #tpu.memory_space<vmem>>, %arg7: memref<!tpu.dma_semaphore, #tpu.memory_space<semaphore_mem>>, %arg8: memref<!tpu.dma_semaphore, #tpu.memory_space<semaphore_mem>>, %arg9: memref<!tpu.dma_semaphore, #tpu.memory_space<semaphore_mem>>, %arg10: memref<!tpu.dma_semaphore, #tpu.memory_space<semaphore_mem>>, %arg11: memref<!tpu.dma_semaphore, #tpu.memory_space<semaphore_mem>>, %arg12: memref<!tpu.dma_semaphore, #tpu.memory_space<semaphore_mem>>, %arg13: memref<!tpu.dma_semaphore, #tpu.memory_space<semaphore_mem>>, %arg14: memref<!tpu.dma_semaphore, #tpu.memory_space<semaphore_mem>>) attributes {dimension_semantics = [#tpu.dimension_semantics<core_parallel>, #tpu.dimension_semantics<subcore_parallel>], iteration_bounds = array<i64: 2, 16>, scalar_prefetch = 0 : i64, scratch_operands = 10 : i64, tpu.core_type = #tpu.core_type<sc_vector_subcore>, window_params = [{transform_indices = #map}, {transform_indices = #map1}, {transform_indices = #map}]} {
    %mul3A = arith.constant 2 : i32
    %mul3A_0 = arith.muli %arg1, %mul3A : i32
    %add3A = arith.addi %mul3A_0, %arg0 : i32
    %mul3A_1 = arith.constant 1568 : i32
    %mul3A_2 = arith.muli %add3A, %mul3A_1 : i32
    %mul3A_3 = arith.constant 32 : i32
    %mul3A_4 = arith.muli %mul3A_2, %mul3A_3 : i32
    "tpu.region"() ({
      %run_scoped3A = tpu.sem_alloc : memref<!tpu.dma_semaphore, #tpu.memory_space<semaphore_mem>>
      %dma_start3A_98 = tpu.memref_slice %arg3[%mul3A_4] : memref<1605632xi32, #tpu.memory_space<hbm>> -> memref<50176xi32, #tpu.memory_space<hbm>>
      %dma_start3A_99 = tpu.memref_slice %arg3[%mul3A_4] : memref<1605632xi32, #tpu.memory_space<hbm>> -> memref<50176xi32, #tpu.memory_space<hbm>>
      tpu.enqueue_dma source(%dma_start3A_99 : memref<50176xi32, #tpu.memory_space<hbm>>) target(%arg5 : memref<50176xi32, #tpu.memory_space<vmem>>) target_semaphore(%run_scoped3A : memref<!tpu.dma_semaphore, #tpu.memory_space<semaphore_mem>>)
      %dma_wait3A_100 = tpu.memref_slice %arg3[%mul3A_4] : memref<1605632xi32, #tpu.memory_space<hbm>> -> memref<50176xi32, #tpu.memory_space<hbm>>
      %dma_wait3A_101 = tpu.memref_slice %arg3[%mul3A_4] : memref<1605632xi32, #tpu.memory_space<hbm>> -> memref<50176xi32, #tpu.memory_space<hbm>>
      tpu.wait_dma2 semaphore(%run_scoped3A : memref<!tpu.dma_semaphore, #tpu.memory_space<semaphore_mem>>) src(%dma_wait3A_101 : memref<50176xi32, #tpu.memory_space<hbm>>) dst(%arg5 : memref<50176xi32, #tpu.memory_space<vmem>>)
      tpu.yield
    }) : () -> ()
    %dma_start3A = arith.constant 0 : i32
    %dma_start3A_5 = arith.constant 0 : i32
    %dma_start3A_6 = arith.constant 0 : i32
    %dma_start3A_7 = tpu.memref_slice %arg6[%dma_start3A, %dma_start3A_5, %dma_start3A_6] : memref<4x1568x8xf32, #tpu.memory_space<vmem>> -> memref<1x1568x8xf32, #tpu.memory_space<vmem>>
    %dma_start3A_8 = tpu.memref_squeeze %dma_start3A_7 : memref<1x1568x8xf32, #tpu.memory_space<vmem>> -> memref<1568x8xf32, #tpu.memory_space<vmem>>
    %dma_start3A_9 = arith.constant 0 : i32
    %dma_start3A_10 = tpu.memref_slice %arg5[%dma_start3A_9] : memref<50176xi32, #tpu.memory_space<vmem>> -> memref<1568xi32, #tpu.memory_space<vmem>>
    %dma_start3A_11 = arith.constant 0 : i32
    %dma_start3A_12 = arith.constant 0 : i32
    %dma_start3A_13 = tpu.memref_slice %arg2[%dma_start3A_11, %dma_start3A_12] : memref<50000x8xf32, #tpu.memory_space<hbm>> -> memref<50000x8xf32, #tpu.memory_space<hbm>>
    tpu.enqueue_indirect_dma source(%dma_start3A_13 : memref<50000x8xf32, #tpu.memory_space<hbm>>) target(%dma_start3A_8 : memref<1568x8xf32, #tpu.memory_space<vmem>>) offsets(%dma_start3A_10 : memref<1568xi32, #tpu.memory_space<vmem>>) semaphore(%arg7 : memref<!tpu.dma_semaphore, #tpu.memory_space<semaphore_mem>>)
    %dma_start3A_14 = arith.constant 1 : i32
    %dma_start3A_15 = arith.constant 0 : i32
    %dma_start3A_16 = arith.constant 0 : i32
    %dma_start3A_17 = tpu.memref_slice %arg6[%dma_start3A_14, %dma_start3A_15, %dma_start3A_16] : memref<4x1568x8xf32, #tpu.memory_space<vmem>> -> memref<1x1568x8xf32, #tpu.memory_space<vmem>>
    %dma_start3A_18 = tpu.memref_squeeze %dma_start3A_17 : memref<1x1568x8xf32, #tpu.memory_space<vmem>> -> memref<1568x8xf32, #tpu.memory_space<vmem>>
    %dma_start3A_19 = arith.constant 1568 : i32
    %dma_start3A_20 = tpu.memref_slice %arg5[%dma_start3A_19] : memref<50176xi32, #tpu.memory_space<vmem>> -> memref<1568xi32, #tpu.memory_space<vmem>>
    %dma_start3A_21 = arith.constant 0 : i32
    %dma_start3A_22 = arith.constant 0 : i32
    %dma_start3A_23 = tpu.memref_slice %arg2[%dma_start3A_21, %dma_start3A_22] : memref<50000x8xf32, #tpu.memory_space<hbm>> -> memref<50000x8xf32, #tpu.memory_space<hbm>>
    tpu.enqueue_indirect_dma source(%dma_start3A_23 : memref<50000x8xf32, #tpu.memory_space<hbm>>) target(%dma_start3A_18 : memref<1568x8xf32, #tpu.memory_space<vmem>>) offsets(%dma_start3A_20 : memref<1568xi32, #tpu.memory_space<vmem>>) semaphore(%arg8 : memref<!tpu.dma_semaphore, #tpu.memory_space<semaphore_mem>>)
    %dma_start3A_24 = arith.constant 2 : i32
    %dma_start3A_25 = arith.constant 0 : i32
    %dma_start3A_26 = arith.constant 0 : i32
    %dma_start3A_27 = tpu.memref_slice %arg6[%dma_start3A_24, %dma_start3A_25, %dma_start3A_26] : memref<4x1568x8xf32, #tpu.memory_space<vmem>> -> memref<1x1568x8xf32, #tpu.memory_space<vmem>>
    %dma_start3A_28 = tpu.memref_squeeze %dma_start3A_27 : memref<1x1568x8xf32, #tpu.memory_space<vmem>> -> memref<1568x8xf32, #tpu.memory_space<vmem>>
    %dma_start3A_29 = arith.constant 3136 : i32
    %dma_start3A_30 = tpu.memref_slice %arg5[%dma_start3A_29] : memref<50176xi32, #tpu.memory_space<vmem>> -> memref<1568xi32, #tpu.memory_space<vmem>>
    %dma_start3A_31 = arith.constant 0 : i32
    %dma_start3A_32 = arith.constant 0 : i32
    %dma_start3A_33 = tpu.memref_slice %arg2[%dma_start3A_31, %dma_start3A_32] : memref<50000x8xf32, #tpu.memory_space<hbm>> -> memref<50000x8xf32, #tpu.memory_space<hbm>>
    tpu.enqueue_indirect_dma source(%dma_start3A_33 : memref<50000x8xf32, #tpu.memory_space<hbm>>) target(%dma_start3A_28 : memref<1568x8xf32, #tpu.memory_space<vmem>>) offsets(%dma_start3A_30 : memref<1568xi32, #tpu.memory_space<vmem>>) semaphore(%arg9 : memref<!tpu.dma_semaphore, #tpu.memory_space<semaphore_mem>>)
    %scan3A = arith.constant 0 : i32
    %scan3A_34 = arith.constant 0 : i32
    %scan3A_35 = arith.constant 8 : i32
    %scan3A_36 = arith.addi %scan3A_34, %scan3A_35 : i32
    %scan3A_37 = arith.constant 1 : i32
    scf.for %scan3A_98 = %scan3A_34 to %scan3A_36 step %scan3A_37  : i32 {
      %mul3A_99 = arith.constant 4 : i32
      %mul3A_100 = arith.muli %mul3A_99, %scan3A_98 : i32
      %add3A_101 = arith.constant 0 : i32
      %add3A_102 = arith.addi %mul3A_100, %add3A_101 : i32
      %mul3A_103 = arith.constant 32 : i32
      %mul3A_104 = arith.muli %mul3A_2, %mul3A_103 : i32
      %dma_wait3A_105 = arith.constant 0 : i32
      %dma_wait3A_106 = arith.constant 0 : i32
      %dma_wait3A_107 = arith.constant 0 : i32
      %dma_wait3A_108 = tpu.memref_slice %arg6[%dma_wait3A_105, %dma_wait3A_106, %dma_wait3A_107] : memref<4x1568x8xf32, #tpu.memory_space<vmem>> -> memref<1x1568x8xf32, #tpu.memory_space<vmem>>
      %dma_wait3A_109 = tpu.memref_squeeze %dma_wait3A_108 : memref<1x1568x8xf32, #tpu.memory_space<vmem>> -> memref<1568x8xf32, #tpu.memory_space<vmem>>
      %dma_wait3A_110 = arith.constant 0 : i32
      %dma_wait3A_111 = tpu.memref_slice %arg4[%mul3A_104, %dma_wait3A_110] : memref<1605632x8xf32, #tpu.memory_space<hbm>> -> memref<1568x8xf32, #tpu.memory_space<hbm>>
      %dma_wait3A_112 = arith.constant 0 : i32
      %dma_wait3A_113 = tpu.memref_slice %arg4[%mul3A_104, %dma_wait3A_112] : memref<1605632x8xf32, #tpu.memory_space<hbm>> -> memref<1568x8xf32, #tpu.memory_space<hbm>>
      %dma_wait3A_114 = arith.constant 0 : i32
      %dma_wait3A_115 = arith.constant 0 : i32
      %dma_wait3A_116 = tpu.memref_slice %arg6[%dma_wait3A_105, %dma_wait3A_114, %dma_wait3A_115] : memref<4x1568x8xf32, #tpu.memory_space<vmem>> -> memref<1x1568x8xf32, #tpu.memory_space<vmem>>
      %dma_wait3A_117 = tpu.memref_squeeze %dma_wait3A_116 : memref<1x1568x8xf32, #tpu.memory_space<vmem>> -> memref<1568x8xf32, #tpu.memory_space<vmem>>
      tpu.wait_dma2 semaphore(%arg7 : memref<!tpu.dma_semaphore, #tpu.memory_space<semaphore_mem>>) src(%dma_wait3A_117 : memref<1568x8xf32, #tpu.memory_space<vmem>>) dst(%dma_wait3A_113 : memref<1568x8xf32, #tpu.memory_space<hbm>>)
      %mul3A_118 = arith.constant 49 : i32
      %mul3A_119 = arith.muli %add3A_102, %mul3A_118 : i32
      %add3A_120 = arith.addi %mul3A_2, %mul3A_119 : i32
      %mul3A_121 = arith.constant 32 : i32
      %mul3A_122 = arith.muli %add3A_120, %mul3A_121 : i32
      %dma_start3A_123 = arith.constant 0 : i32
      %dma_start3A_124 = arith.constant 0 : i32
      %dma_start3A_125 = arith.constant 0 : i32
      %dma_start3A_126 = tpu.memref_slice %arg6[%dma_start3A_123, %dma_start3A_124, %dma_start3A_125] : memref<4x1568x8xf32, #tpu.memory_space<vmem>> -> memref<1x1568x8xf32, #tpu.memory_space<vmem>>
      %dma_start3A_127 = tpu.memref_squeeze %dma_start3A_126 : memref<1x1568x8xf32, #tpu.memory_space<vmem>> -> memref<1568x8xf32, #tpu.memory_space<vmem>>
      %dma_start3A_128 = arith.constant 0 : i32
      %dma_start3A_129 = tpu.memref_slice %arg4[%mul3A_122, %dma_start3A_128] : memref<1605632x8xf32, #tpu.memory_space<hbm>> -> memref<1568x8xf32, #tpu.memory_space<hbm>>
      %dma_start3A_130 = arith.constant 0 : i32
      %dma_start3A_131 = tpu.memref_slice %arg4[%mul3A_122, %dma_start3A_130] : memref<1605632x8xf32, #tpu.memory_space<hbm>> -> memref<1568x8xf32, #tpu.memory_space<hbm>>
      %dma_start3A_132 = arith.constant 0 : i32
      %dma_start3A_133 = arith.constant 0 : i32
      %dma_start3A_134 = tpu.memref_slice %arg6[%dma_start3A_123, %dma_start3A_132, %dma_start3A_133] : memref<4x1568x8xf32, #tpu.memory_space<vmem>> -> memref<1x1568x8xf32, #tpu.memory_space<vmem>>
      %dma_start3A_135 = tpu.memref_squeeze %dma_start3A_134 : memref<1x1568x8xf32, #tpu.memory_space<vmem>> -> memref<1568x8xf32, #tpu.memory_space<vmem>>
      tpu.enqueue_dma source(%dma_start3A_135 : memref<1568x8xf32, #tpu.memory_space<vmem>>) target(%dma_start3A_131 : memref<1568x8xf32, #tpu.memory_space<hbm>>) target_semaphore(%arg11 : memref<!tpu.dma_semaphore, #tpu.memory_space<semaphore_mem>>)
      %add3A_136 = arith.constant 4 : i32
      %add3A_137 = arith.addi %add3A_102, %add3A_136 : i32
      %sub3A = arith.constant 1 : i32
      %sub3A_138 = arith.subi %add3A_137, %sub3A : i32
      %lt3A = arith.constant 32 : i32
      %lt3A_139 = arith.cmpi slt, %sub3A_138, %lt3A : i32
      %convert_element_type3A = arith.extui %lt3A_139 : i1 to i32
      %cond3A = arith.constant 0 : i32
      %cond3A_140 = arith.cmpi ne, %convert_element_type3A, %cond3A : i32
      scf.if %cond3A_140 {
        %ge3A = arith.constant 4 : i32
        %ge3A_279 = arith.cmpi sge, %sub3A_138, %ge3A : i32
        %convert_element_type3A_280 = arith.extui %ge3A_279 : i1 to i32
        %cond3A_281 = arith.constant 0 : i32
        %cond3A_282 = arith.cmpi ne, %convert_element_type3A_280, %cond3A_281 : i32
        scf.if %cond3A_282 {
          %mul3A_294 = arith.constant 32 : i32
          %mul3A_295 = arith.muli %mul3A_2, %mul3A_294 : i32
          %dma_wait3A_296 = arith.constant 3 : i32
          %dma_wait3A_297 = arith.constant 0 : i32
          %dma_wait3A_298 = arith.constant 0 : i32
          %dma_wait3A_299 = tpu.memref_slice %arg6[%dma_wait3A_296, %dma_wait3A_297, %dma_wait3A_298] : memref<4x1568x8xf32, #tpu.memory_space<vmem>> -> memref<1x1568x8xf32, #tpu.memory_space<vmem>>
          %dma_wait3A_300 = tpu.memref_squeeze %dma_wait3A_299 : memref<1x1568x8xf32, #tpu.memory_space<vmem>> -> memref<1568x8xf32, #tpu.memory_space<vmem>>
          %dma_wait3A_301 = arith.constant 0 : i32
          %dma_wait3A_302 = tpu.memref_slice %arg4[%mul3A_295, %dma_wait3A_301] : memref<1605632x8xf32, #tpu.memory_space<hbm>> -> memref<1568x8xf32, #tpu.memory_space<hbm>>
          %dma_wait3A_303 = arith.constant 0 : i32
          %dma_wait3A_304 = tpu.memref_slice %arg4[%mul3A_295, %dma_wait3A_303] : memref<1605632x8xf32, #tpu.memory_space<hbm>> -> memref<1568x8xf32, #tpu.memory_space<hbm>>
          %dma_wait3A_305 = arith.constant 0 : i32
          %dma_wait3A_306 = arith.constant 0 : i32
          %dma_wait3A_307 = tpu.memref_slice %arg6[%dma_wait3A_296, %dma_wait3A_305, %dma_wait3A_306] : memref<4x1568x8xf32, #tpu.memory_space<vmem>> -> memref<1x1568x8xf32, #tpu.memory_space<vmem>>
          %dma_wait3A_308 = tpu.memref_squeeze %dma_wait3A_307 : memref<1x1568x8xf32, #tpu.memory_space<vmem>> -> memref<1568x8xf32, #tpu.memory_space<vmem>>
          tpu.wait_dma2 semaphore(%arg14 : memref<!tpu.dma_semaphore, #tpu.memory_space<semaphore_mem>>) src(%dma_wait3A_308 : memref<1568x8xf32, #tpu.memory_space<vmem>>) dst(%dma_wait3A_304 : memref<1568x8xf32, #tpu.memory_space<hbm>>)
        } else {
        }
        %mul3A_283 = arith.constant 1568 : i32
        %mul3A_284 = arith.muli %sub3A_138, %mul3A_283 : i32
        %dma_start3A_285 = arith.constant 3 : i32
        %dma_start3A_286 = arith.constant 0 : i32
        %dma_start3A_287 = arith.constant 0 : i32
        %dma_start3A_288 = tpu.memref_slice %arg6[%dma_start3A_285, %dma_start3A_286, %dma_start3A_287] : memref<4x1568x8xf32, #tpu.memory_space<vmem>> -> memref<1x1568x8xf32, #tpu.memory_space<vmem>>
        %dma_start3A_289 = tpu.memref_squeeze %dma_start3A_288 : memref<1x1568x8xf32, #tpu.memory_space<vmem>> -> memref<1568x8xf32, #tpu.memory_space<vmem>>
        %dma_start3A_290 = tpu.memref_slice %arg5[%mul3A_284] : memref<50176xi32, #tpu.memory_space<vmem>> -> memref<1568xi32, #tpu.memory_space<vmem>>
        %dma_start3A_291 = arith.constant 0 : i32
        %dma_start3A_292 = arith.constant 0 : i32
        %dma_start3A_293 = tpu.memref_slice %arg2[%dma_start3A_291, %dma_start3A_292] : memref<50000x8xf32, #tpu.memory_space<hbm>> -> memref<50000x8xf32, #tpu.memory_space<hbm>>
        tpu.enqueue_indirect_dma source(%dma_start3A_293 : memref<50000x8xf32, #tpu.memory_space<hbm>>) target(%dma_start3A_289 : memref<1568x8xf32, #tpu.memory_space<vmem>>) offsets(%dma_start3A_290 : memref<1568xi32, #tpu.memory_space<vmem>>) semaphore(%arg10 : memref<!tpu.dma_semaphore, #tpu.memory_space<semaphore_mem>>)
      } else {
      }
      %mul3A_141 = arith.constant 4 : i32
      %mul3A_142 = arith.muli %mul3A_141, %scan3A_98 : i32
      %add3A_143 = arith.constant 1 : i32
      %add3A_144 = arith.addi %mul3A_142, %add3A_143 : i32
      %mul3A_145 = arith.constant 32 : i32
      %mul3A_146 = arith.muli %mul3A_2, %mul3A_145 : i32
      %dma_wait3A_147 = arith.constant 1 : i32
      %dma_wait3A_148 = arith.constant 0 : i32
      %dma_wait3A_149 = arith.constant 0 : i32
      %dma_wait3A_150 = tpu.memref_slice %arg6[%dma_wait3A_147, %dma_wait3A_148, %dma_wait3A_149] : memref<4x1568x8xf32, #tpu.memory_space<vmem>> -> memref<1x1568x8xf32, #tpu.memory_space<vmem>>
      %dma_wait3A_151 = tpu.memref_squeeze %dma_wait3A_150 : memref<1x1568x8xf32, #tpu.memory_space<vmem>> -> memref<1568x8xf32, #tpu.memory_space<vmem>>
      %dma_wait3A_152 = arith.constant 0 : i32
      %dma_wait3A_153 = tpu.memref_slice %arg4[%mul3A_146, %dma_wait3A_152] : memref<1605632x8xf32, #tpu.memory_space<hbm>> -> memref<1568x8xf32, #tpu.memory_space<hbm>>
      %dma_wait3A_154 = arith.constant 0 : i32
      %dma_wait3A_155 = tpu.memref_slice %arg4[%mul3A_146, %dma_wait3A_154] : memref<1605632x8xf32, #tpu.memory_space<hbm>> -> memref<1568x8xf32, #tpu.memory_space<hbm>>
      %dma_wait3A_156 = arith.constant 0 : i32
      %dma_wait3A_157 = arith.constant 0 : i32
      %dma_wait3A_158 = tpu.memref_slice %arg6[%dma_wait3A_147, %dma_wait3A_156, %dma_wait3A_157] : memref<4x1568x8xf32, #tpu.memory_space<vmem>> -> memref<1x1568x8xf32, #tpu.memory_space<vmem>>
      %dma_wait3A_159 = tpu.memref_squeeze %dma_wait3A_158 : memref<1x1568x8xf32, #tpu.memory_space<vmem>> -> memref<1568x8xf32, #tpu.memory_space<vmem>>
      tpu.wait_dma2 semaphore(%arg8 : memref<!tpu.dma_semaphore, #tpu.memory_space<semaphore_mem>>) src(%dma_wait3A_159 : memref<1568x8xf32, #tpu.memory_space<vmem>>) dst(%dma_wait3A_155 : memref<1568x8xf32, #tpu.memory_space<hbm>>)
      %mul3A_160 = arith.constant 49 : i32
      %mul3A_161 = arith.muli %add3A_144, %mul3A_160 : i32
      %add3A_162 = arith.addi %mul3A_2, %mul3A_161 : i32
      %mul3A_163 = arith.constant 32 : i32
      %mul3A_164 = arith.muli %add3A_162, %mul3A_163 : i32
      %dma_start3A_165 = arith.constant 1 : i32
      %dma_start3A_166 = arith.constant 0 : i32
      %dma_start3A_167 = arith.constant 0 : i32
      %dma_start3A_168 = tpu.memref_slice %arg6[%dma_start3A_165, %dma_start3A_166, %dma_start3A_167] : memref<4x1568x8xf32, #tpu.memory_space<vmem>> -> memref<1x1568x8xf32, #tpu.memory_space<vmem>>
      %dma_start3A_169 = tpu.memref_squeeze %dma_start3A_168 : memref<1x1568x8xf32, #tpu.memory_space<vmem>> -> memref<1568x8xf32, #tpu.memory_space<vmem>>
      %dma_start3A_170 = arith.constant 0 : i32
      %dma_start3A_171 = tpu.memref_slice %arg4[%mul3A_164, %dma_start3A_170] : memref<1605632x8xf32, #tpu.memory_space<hbm>> -> memref<1568x8xf32, #tpu.memory_space<hbm>>
      %dma_start3A_172 = arith.constant 0 : i32
      %dma_start3A_173 = tpu.memref_slice %arg4[%mul3A_164, %dma_start3A_172] : memref<1605632x8xf32, #tpu.memory_space<hbm>> -> memref<1568x8xf32, #tpu.memory_space<hbm>>
      %dma_start3A_174 = arith.constant 0 : i32
      %dma_start3A_175 = arith.constant 0 : i32
      %dma_start3A_176 = tpu.memref_slice %arg6[%dma_start3A_165, %dma_start3A_174, %dma_start3A_175] : memref<4x1568x8xf32, #tpu.memory_space<vmem>> -> memref<1x1568x8xf32, #tpu.memory_space<vmem>>
      %dma_start3A_177 = tpu.memref_squeeze %dma_start3A_176 : memref<1x1568x8xf32, #tpu.memory_space<vmem>> -> memref<1568x8xf32, #tpu.memory_space<vmem>>
      tpu.enqueue_dma source(%dma_start3A_177 : memref<1568x8xf32, #tpu.memory_space<vmem>>) target(%dma_start3A_173 : memref<1568x8xf32, #tpu.memory_space<hbm>>) target_semaphore(%arg12 : memref<!tpu.dma_semaphore, #tpu.memory_space<semaphore_mem>>)
      %add3A_178 = arith.constant 4 : i32
      %add3A_179 = arith.addi %add3A_144, %add3A_178 : i32
      %sub3A_180 = arith.constant 1 : i32
      %sub3A_181 = arith.subi %add3A_179, %sub3A_180 : i32
      %lt3A_182 = arith.constant 32 : i32
      %lt3A_183 = arith.cmpi slt, %sub3A_181, %lt3A_182 : i32
      %convert_element_type3A_184 = arith.extui %lt3A_183 : i1 to i32
      %cond3A_185 = arith.constant 0 : i32
      %cond3A_186 = arith.cmpi ne, %convert_element_type3A_184, %cond3A_185 : i32
      scf.if %cond3A_186 {
        %ge3A = arith.constant 4 : i32
        %ge3A_279 = arith.cmpi sge, %sub3A_181, %ge3A : i32
        %convert_element_type3A_280 = arith.extui %ge3A_279 : i1 to i32
        %cond3A_281 = arith.constant 0 : i32
        %cond3A_282 = arith.cmpi ne, %convert_element_type3A_280, %cond3A_281 : i32
        scf.if %cond3A_282 {
          %mul3A_294 = arith.constant 32 : i32
          %mul3A_295 = arith.muli %mul3A_2, %mul3A_294 : i32
          %dma_wait3A_296 = arith.constant 0 : i32
          %dma_wait3A_297 = arith.constant 0 : i32
          %dma_wait3A_298 = arith.constant 0 : i32
          %dma_wait3A_299 = tpu.memref_slice %arg6[%dma_wait3A_296, %dma_wait3A_297, %dma_wait3A_298] : memref<4x1568x8xf32, #tpu.memory_space<vmem>> -> memref<1x1568x8xf32, #tpu.memory_space<vmem>>
          %dma_wait3A_300 = tpu.memref_squeeze %dma_wait3A_299 : memref<1x1568x8xf32, #tpu.memory_space<vmem>> -> memref<1568x8xf32, #tpu.memory_space<vmem>>
          %dma_wait3A_301 = arith.constant 0 : i32
          %dma_wait3A_302 = tpu.memref_slice %arg4[%mul3A_295, %dma_wait3A_301] : memref<1605632x8xf32, #tpu.memory_space<hbm>> -> memref<1568x8xf32, #tpu.memory_space<hbm>>
          %dma_wait3A_303 = arith.constant 0 : i32
          %dma_wait3A_304 = tpu.memref_slice %arg4[%mul3A_295, %dma_wait3A_303] : memref<1605632x8xf32, #tpu.memory_space<hbm>> -> memref<1568x8xf32, #tpu.memory_space<hbm>>
          %dma_wait3A_305 = arith.constant 0 : i32
          %dma_wait3A_306 = arith.constant 0 : i32
          %dma_wait3A_307 = tpu.memref_slice %arg6[%dma_wait3A_296, %dma_wait3A_305, %dma_wait3A_306] : memref<4x1568x8xf32, #tpu.memory_space<vmem>> -> memref<1x1568x8xf32, #tpu.memory_space<vmem>>
          %dma_wait3A_308 = tpu.memref_squeeze %dma_wait3A_307 : memref<1x1568x8xf32, #tpu.memory_space<vmem>> -> memref<1568x8xf32, #tpu.memory_space<vmem>>
          tpu.wait_dma2 semaphore(%arg11 : memref<!tpu.dma_semaphore, #tpu.memory_space<semaphore_mem>>) src(%dma_wait3A_308 : memref<1568x8xf32, #tpu.memory_space<vmem>>) dst(%dma_wait3A_304 : memref<1568x8xf32, #tpu.memory_space<hbm>>)
        } else {
        }
        %mul3A_283 = arith.constant 1568 : i32
        %mul3A_284 = arith.muli %sub3A_181, %mul3A_283 : i32
        %dma_start3A_285 = arith.constant 0 : i32
        %dma_start3A_286 = arith.constant 0 : i32
        %dma_start3A_287 = arith.constant 0 : i32
        %dma_start3A_288 = tpu.memref_slice %arg6[%dma_start3A_285, %dma_start3A_286, %dma_start3A_287] : memref<4x1568x8xf32, #tpu.memory_space<vmem>> -> memref<1x1568x8xf32, #tpu.memory_space<vmem>>
        %dma_start3A_289 = tpu.memref_squeeze %dma_start3A_288 : memref<1x1568x8xf32, #tpu.memory_space<vmem>> -> memref<1568x8xf32, #tpu.memory_space<vmem>>
        %dma_start3A_290 = tpu.memref_slice %arg5[%mul3A_284] : memref<50176xi32, #tpu.memory_space<vmem>> -> memref<1568xi32, #tpu.memory_space<vmem>>
        %dma_start3A_291 = arith.constant 0 : i32
        %dma_start3A_292 = arith.constant 0 : i32
        %dma_start3A_293 = tpu.memref_slice %arg2[%dma_start3A_291, %dma_start3A_292] : memref<50000x8xf32, #tpu.memory_space<hbm>> -> memref<50000x8xf32, #tpu.memory_space<hbm>>
        tpu.enqueue_indirect_dma source(%dma_start3A_293 : memref<50000x8xf32, #tpu.memory_space<hbm>>) target(%dma_start3A_289 : memref<1568x8xf32, #tpu.memory_space<vmem>>) offsets(%dma_start3A_290 : memref<1568xi32, #tpu.memory_space<vmem>>) semaphore(%arg7 : memref<!tpu.dma_semaphore, #tpu.memory_space<semaphore_mem>>)
      } else {
      }
      %mul3A_187 = arith.constant 4 : i32
      %mul3A_188 = arith.muli %mul3A_187, %scan3A_98 : i32
      %add3A_189 = arith.constant 2 : i32
      %add3A_190 = arith.addi %mul3A_188, %add3A_189 : i32
      %mul3A_191 = arith.constant 32 : i32
      %mul3A_192 = arith.muli %mul3A_2, %mul3A_191 : i32
      %dma_wait3A_193 = arith.constant 2 : i32
      %dma_wait3A_194 = arith.constant 0 : i32
      %dma_wait3A_195 = arith.constant 0 : i32
      %dma_wait3A_196 = tpu.memref_slice %arg6[%dma_wait3A_193, %dma_wait3A_194, %dma_wait3A_195] : memref<4x1568x8xf32, #tpu.memory_space<vmem>> -> memref<1x1568x8xf32, #tpu.memory_space<vmem>>
      %dma_wait3A_197 = tpu.memref_squeeze %dma_wait3A_196 : memref<1x1568x8xf32, #tpu.memory_space<vmem>> -> memref<1568x8xf32, #tpu.memory_space<vmem>>
      %dma_wait3A_198 = arith.constant 0 : i32
      %dma_wait3A_199 = tpu.memref_slice %arg4[%mul3A_192, %dma_wait3A_198] : memref<1605632x8xf32, #tpu.memory_space<hbm>> -> memref<1568x8xf32, #tpu.memory_space<hbm>>
      %dma_wait3A_200 = arith.constant 0 : i32
      %dma_wait3A_201 = tpu.memref_slice %arg4[%mul3A_192, %dma_wait3A_200] : memref<1605632x8xf32, #tpu.memory_space<hbm>> -> memref<1568x8xf32, #tpu.memory_space<hbm>>
      %dma_wait3A_202 = arith.constant 0 : i32
      %dma_wait3A_203 = arith.constant 0 : i32
      %dma_wait3A_204 = tpu.memref_slice %arg6[%dma_wait3A_193, %dma_wait3A_202, %dma_wait3A_203] : memref<4x1568x8xf32, #tpu.memory_space<vmem>> -> memref<1x1568x8xf32, #tpu.memory_space<vmem>>
      %dma_wait3A_205 = tpu.memref_squeeze %dma_wait3A_204 : memref<1x1568x8xf32, #tpu.memory_space<vmem>> -> memref<1568x8xf32, #tpu.memory_space<vmem>>
      tpu.wait_dma2 semaphore(%arg9 : memref<!tpu.dma_semaphore, #tpu.memory_space<semaphore_mem>>) src(%dma_wait3A_205 : memref<1568x8xf32, #tpu.memory_space<vmem>>) dst(%dma_wait3A_201 : memref<1568x8xf32, #tpu.memory_space<hbm>>)
      %mul3A_206 = arith.constant 49 : i32
      %mul3A_207 = arith.muli %add3A_190, %mul3A_206 : i32
      %add3A_208 = arith.addi %mul3A_2, %mul3A_207 : i32
      %mul3A_209 = arith.constant 32 : i32
      %mul3A_210 = arith.muli %add3A_208, %mul3A_209 : i32
      %dma_start3A_211 = arith.constant 2 : i32
      %dma_start3A_212 = arith.constant 0 : i32
      %dma_start3A_213 = arith.constant 0 : i32
      %dma_start3A_214 = tpu.memref_slice %arg6[%dma_start3A_211, %dma_start3A_212, %dma_start3A_213] : memref<4x1568x8xf32, #tpu.memory_space<vmem>> -> memref<1x1568x8xf32, #tpu.memory_space<vmem>>
      %dma_start3A_215 = tpu.memref_squeeze %dma_start3A_214 : memref<1x1568x8xf32, #tpu.memory_space<vmem>> -> memref<1568x8xf32, #tpu.memory_space<vmem>>
      %dma_start3A_216 = arith.constant 0 : i32
      %dma_start3A_217 = tpu.memref_slice %arg4[%mul3A_210, %dma_start3A_216] : memref<1605632x8xf32, #tpu.memory_space<hbm>> -> memref<1568x8xf32, #tpu.memory_space<hbm>>
      %dma_start3A_218 = arith.constant 0 : i32
      %dma_start3A_219 = tpu.memref_slice %arg4[%mul3A_210, %dma_start3A_218] : memref<1605632x8xf32, #tpu.memory_space<hbm>> -> memref<1568x8xf32, #tpu.memory_space<hbm>>
      %dma_start3A_220 = arith.constant 0 : i32
      %dma_start3A_221 = arith.constant 0 : i32
      %dma_start3A_222 = tpu.memref_slice %arg6[%dma_start3A_211, %dma_start3A_220, %dma_start3A_221] : memref<4x1568x8xf32, #tpu.memory_space<vmem>> -> memref<1x1568x8xf32, #tpu.memory_space<vmem>>
      %dma_start3A_223 = tpu.memref_squeeze %dma_start3A_222 : memref<1x1568x8xf32, #tpu.memory_space<vmem>> -> memref<1568x8xf32, #tpu.memory_space<vmem>>
      tpu.enqueue_dma source(%dma_start3A_223 : memref<1568x8xf32, #tpu.memory_space<vmem>>) target(%dma_start3A_219 : memref<1568x8xf32, #tpu.memory_space<hbm>>) target_semaphore(%arg13 : memref<!tpu.dma_semaphore, #tpu.memory_space<semaphore_mem>>)
      %add3A_224 = arith.constant 4 : i32
      %add3A_225 = arith.addi %add3A_190, %add3A_224 : i32
      %sub3A_226 = arith.constant 1 : i32
      %sub3A_227 = arith.subi %add3A_225, %sub3A_226 : i32
      %lt3A_228 = arith.constant 32 : i32
      %lt3A_229 = arith.cmpi slt, %sub3A_227, %lt3A_228 : i32
      %convert_element_type3A_230 = arith.extui %lt3A_229 : i1 to i32
      %cond3A_231 = arith.constant 0 : i32
      %cond3A_232 = arith.cmpi ne, %convert_element_type3A_230, %cond3A_231 : i32
      scf.if %cond3A_232 {
        %ge3A = arith.constant 4 : i32
        %ge3A_279 = arith.cmpi sge, %sub3A_227, %ge3A : i32
        %convert_element_type3A_280 = arith.extui %ge3A_279 : i1 to i32
        %cond3A_281 = arith.constant 0 : i32
        %cond3A_282 = arith.cmpi ne, %convert_element_type3A_280, %cond3A_281 : i32
        scf.if %cond3A_282 {
          %mul3A_294 = arith.constant 32 : i32
          %mul3A_295 = arith.muli %mul3A_2, %mul3A_294 : i32
          %dma_wait3A_296 = arith.constant 1 : i32
          %dma_wait3A_297 = arith.constant 0 : i32
          %dma_wait3A_298 = arith.constant 0 : i32
          %dma_wait3A_299 = tpu.memref_slice %arg6[%dma_wait3A_296, %dma_wait3A_297, %dma_wait3A_298] : memref<4x1568x8xf32, #tpu.memory_space<vmem>> -> memref<1x1568x8xf32, #tpu.memory_space<vmem>>
          %dma_wait3A_300 = tpu.memref_squeeze %dma_wait3A_299 : memref<1x1568x8xf32, #tpu.memory_space<vmem>> -> memref<1568x8xf32, #tpu.memory_space<vmem>>
          %dma_wait3A_301 = arith.constant 0 : i32
          %dma_wait3A_302 = tpu.memref_slice %arg4[%mul3A_295, %dma_wait3A_301] : memref<1605632x8xf32, #tpu.memory_space<hbm>> -> memref<1568x8xf32, #tpu.memory_space<hbm>>
          %dma_wait3A_303 = arith.constant 0 : i32
          %dma_wait3A_304 = tpu.memref_slice %arg4[%mul3A_295, %dma_wait3A_303] : memref<1605632x8xf32, #tpu.memory_space<hbm>> -> memref<1568x8xf32, #tpu.memory_space<hbm>>
          %dma_wait3A_305 = arith.constant 0 : i32
          %dma_wait3A_306 = arith.constant 0 : i32
          %dma_wait3A_307 = tpu.memref_slice %arg6[%dma_wait3A_296, %dma_wait3A_305, %dma_wait3A_306] : memref<4x1568x8xf32, #tpu.memory_space<vmem>> -> memref<1x1568x8xf32, #tpu.memory_space<vmem>>
          %dma_wait3A_308 = tpu.memref_squeeze %dma_wait3A_307 : memref<1x1568x8xf32, #tpu.memory_space<vmem>> -> memref<1568x8xf32, #tpu.memory_space<vmem>>
          tpu.wait_dma2 semaphore(%arg12 : memref<!tpu.dma_semaphore, #tpu.memory_space<semaphore_mem>>) src(%dma_wait3A_308 : memref<1568x8xf32, #tpu.memory_space<vmem>>) dst(%dma_wait3A_304 : memref<1568x8xf32, #tpu.memory_space<hbm>>)
        } else {
        }
        %mul3A_283 = arith.constant 1568 : i32
        %mul3A_284 = arith.muli %sub3A_227, %mul3A_283 : i32
        %dma_start3A_285 = arith.constant 1 : i32
        %dma_start3A_286 = arith.constant 0 : i32
        %dma_start3A_287 = arith.constant 0 : i32
        %dma_start3A_288 = tpu.memref_slice %arg6[%dma_start3A_285, %dma_start3A_286, %dma_start3A_287] : memref<4x1568x8xf32, #tpu.memory_space<vmem>> -> memref<1x1568x8xf32, #tpu.memory_space<vmem>>
        %dma_start3A_289 = tpu.memref_squeeze %dma_start3A_288 : memref<1x1568x8xf32, #tpu.memory_space<vmem>> -> memref<1568x8xf32, #tpu.memory_space<vmem>>
        %dma_start3A_290 = tpu.memref_slice %arg5[%mul3A_284] : memref<50176xi32, #tpu.memory_space<vmem>> -> memref<1568xi32, #tpu.memory_space<vmem>>
        %dma_start3A_291 = arith.constant 0 : i32
        %dma_start3A_292 = arith.constant 0 : i32
        %dma_start3A_293 = tpu.memref_slice %arg2[%dma_start3A_291, %dma_start3A_292] : memref<50000x8xf32, #tpu.memory_space<hbm>> -> memref<50000x8xf32, #tpu.memory_space<hbm>>
        tpu.enqueue_indirect_dma source(%dma_start3A_293 : memref<50000x8xf32, #tpu.memory_space<hbm>>) target(%dma_start3A_289 : memref<1568x8xf32, #tpu.memory_space<vmem>>) offsets(%dma_start3A_290 : memref<1568xi32, #tpu.memory_space<vmem>>) semaphore(%arg8 : memref<!tpu.dma_semaphore, #tpu.memory_space<semaphore_mem>>)
      } else {
      }
      %mul3A_233 = arith.constant 4 : i32
      %mul3A_234 = arith.muli %mul3A_233, %scan3A_98 : i32
      %add3A_235 = arith.constant 3 : i32
      %add3A_236 = arith.addi %mul3A_234, %add3A_235 : i32
      %mul3A_237 = arith.constant 32 : i32
      %mul3A_238 = arith.muli %mul3A_2, %mul3A_237 : i32
      %dma_wait3A_239 = arith.constant 3 : i32
      %dma_wait3A_240 = arith.constant 0 : i32
      %dma_wait3A_241 = arith.constant 0 : i32
      %dma_wait3A_242 = tpu.memref_slice %arg6[%dma_wait3A_239, %dma_wait3A_240, %dma_wait3A_241] : memref<4x1568x8xf32, #tpu.memory_space<vmem>> -> memref<1x1568x8xf32, #tpu.memory_space<vmem>>
      %dma_wait3A_243 = tpu.memref_squeeze %dma_wait3A_242 : memref<1x1568x8xf32, #tpu.memory_space<vmem>> -> memref<1568x8xf32, #tpu.memory_space<vmem>>
      %dma_wait3A_244 = arith.constant 0 : i32
      %dma_wait3A_245 = tpu.memref_slice %arg4[%mul3A_238, %dma_wait3A_244] : memref<1605632x8xf32, #tpu.memory_space<hbm>> -> memref<1568x8xf32, #tpu.memory_space<hbm>>
      %dma_wait3A_246 = arith.constant 0 : i32
      %dma_wait3A_247 = tpu.memref_slice %arg4[%mul3A_238, %dma_wait3A_246] : memref<1605632x8xf32, #tpu.memory_space<hbm>> -> memref<1568x8xf32, #tpu.memory_space<hbm>>
      %dma_wait3A_248 = arith.constant 0 : i32
      %dma_wait3A_249 = arith.constant 0 : i32
      %dma_wait3A_250 = tpu.memref_slice %arg6[%dma_wait3A_239, %dma_wait3A_248, %dma_wait3A_249] : memref<4x1568x8xf32, #tpu.memory_space<vmem>> -> memref<1x1568x8xf32, #tpu.memory_space<vmem>>
      %dma_wait3A_251 = tpu.memref_squeeze %dma_wait3A_250 : memref<1x1568x8xf32, #tpu.memory_space<vmem>> -> memref<1568x8xf32, #tpu.memory_space<vmem>>
      tpu.wait_dma2 semaphore(%arg10 : memref<!tpu.dma_semaphore, #tpu.memory_space<semaphore_mem>>) src(%dma_wait3A_251 : memref<1568x8xf32, #tpu.memory_space<vmem>>) dst(%dma_wait3A_247 : memref<1568x8xf32, #tpu.memory_space<hbm>>)
      %mul3A_252 = arith.constant 49 : i32
      %mul3A_253 = arith.muli %add3A_236, %mul3A_252 : i32
      %add3A_254 = arith.addi %mul3A_2, %mul3A_253 : i32
      %mul3A_255 = arith.constant 32 : i32
      %mul3A_256 = arith.muli %add3A_254, %mul3A_255 : i32
      %dma_start3A_257 = arith.constant 3 : i32
      %dma_start3A_258 = arith.constant 0 : i32
      %dma_start3A_259 = arith.constant 0 : i32
      %dma_start3A_260 = tpu.memref_slice %arg6[%dma_start3A_257, %dma_start3A_258, %dma_start3A_259] : memref<4x1568x8xf32, #tpu.memory_space<vmem>> -> memref<1x1568x8xf32, #tpu.memory_space<vmem>>
      %dma_start3A_261 = tpu.memref_squeeze %dma_start3A_260 : memref<1x1568x8xf32, #tpu.memory_space<vmem>> -> memref<1568x8xf32, #tpu.memory_space<vmem>>
      %dma_start3A_262 = arith.constant 0 : i32
      %dma_start3A_263 = tpu.memref_slice %arg4[%mul3A_256, %dma_start3A_262] : memref<1605632x8xf32, #tpu.memory_space<hbm>> -> memref<1568x8xf32, #tpu.memory_space<hbm>>
      %dma_start3A_264 = arith.constant 0 : i32
      %dma_start3A_265 = tpu.memref_slice %arg4[%mul3A_256, %dma_start3A_264] : memref<1605632x8xf32, #tpu.memory_space<hbm>> -> memref<1568x8xf32, #tpu.memory_space<hbm>>
      %dma_start3A_266 = arith.constant 0 : i32
      %dma_start3A_267 = arith.constant 0 : i32
      %dma_start3A_268 = tpu.memref_slice %arg6[%dma_start3A_257, %dma_start3A_266, %dma_start3A_267] : memref<4x1568x8xf32, #tpu.memory_space<vmem>> -> memref<1x1568x8xf32, #tpu.memory_space<vmem>>
      %dma_start3A_269 = tpu.memref_squeeze %dma_start3A_268 : memref<1x1568x8xf32, #tpu.memory_space<vmem>> -> memref<1568x8xf32, #tpu.memory_space<vmem>>
      tpu.enqueue_dma source(%dma_start3A_269 : memref<1568x8xf32, #tpu.memory_space<vmem>>) target(%dma_start3A_265 : memref<1568x8xf32, #tpu.memory_space<hbm>>) target_semaphore(%arg14 : memref<!tpu.dma_semaphore, #tpu.memory_space<semaphore_mem>>)
      %add3A_270 = arith.constant 4 : i32
      %add3A_271 = arith.addi %add3A_236, %add3A_270 : i32
      %sub3A_272 = arith.constant 1 : i32
      %sub3A_273 = arith.subi %add3A_271, %sub3A_272 : i32
      %lt3A_274 = arith.constant 32 : i32
      %lt3A_275 = arith.cmpi slt, %sub3A_273, %lt3A_274 : i32
      %convert_element_type3A_276 = arith.extui %lt3A_275 : i1 to i32
      %cond3A_277 = arith.constant 0 : i32
      %cond3A_278 = arith.cmpi ne, %convert_element_type3A_276, %cond3A_277 : i32
      scf.if %cond3A_278 {
        %ge3A = arith.constant 4 : i32
        %ge3A_279 = arith.cmpi sge, %sub3A_273, %ge3A : i32
        %convert_element_type3A_280 = arith.extui %ge3A_279 : i1 to i32
        %cond3A_281 = arith.constant 0 : i32
        %cond3A_282 = arith.cmpi ne, %convert_element_type3A_280, %cond3A_281 : i32
        scf.if %cond3A_282 {
          %mul3A_294 = arith.constant 32 : i32
          %mul3A_295 = arith.muli %mul3A_2, %mul3A_294 : i32
          %dma_wait3A_296 = arith.constant 2 : i32
          %dma_wait3A_297 = arith.constant 0 : i32
          %dma_wait3A_298 = arith.constant 0 : i32
          %dma_wait3A_299 = tpu.memref_slice %arg6[%dma_wait3A_296, %dma_wait3A_297, %dma_wait3A_298] : memref<4x1568x8xf32, #tpu.memory_space<vmem>> -> memref<1x1568x8xf32, #tpu.memory_space<vmem>>
          %dma_wait3A_300 = tpu.memref_squeeze %dma_wait3A_299 : memref<1x1568x8xf32, #tpu.memory_space<vmem>> -> memref<1568x8xf32, #tpu.memory_space<vmem>>
          %dma_wait3A_301 = arith.constant 0 : i32
          %dma_wait3A_302 = tpu.memref_slice %arg4[%mul3A_295, %dma_wait3A_301] : memref<1605632x8xf32, #tpu.memory_space<hbm>> -> memref<1568x8xf32, #tpu.memory_space<hbm>>
          %dma_wait3A_303 = arith.constant 0 : i32
          %dma_wait3A_304 = tpu.memref_slice %arg4[%mul3A_295, %dma_wait3A_303] : memref<1605632x8xf32, #tpu.memory_space<hbm>> -> memref<1568x8xf32, #tpu.memory_space<hbm>>
          %dma_wait3A_305 = arith.constant 0 : i32
          %dma_wait3A_306 = arith.constant 0 : i32
          %dma_wait3A_307 = tpu.memref_slice %arg6[%dma_wait3A_296, %dma_wait3A_305, %dma_wait3A_306] : memref<4x1568x8xf32, #tpu.memory_space<vmem>> -> memref<1x1568x8xf32, #tpu.memory_space<vmem>>
          %dma_wait3A_308 = tpu.memref_squeeze %dma_wait3A_307 : memref<1x1568x8xf32, #tpu.memory_space<vmem>> -> memref<1568x8xf32, #tpu.memory_space<vmem>>
          tpu.wait_dma2 semaphore(%arg13 : memref<!tpu.dma_semaphore, #tpu.memory_space<semaphore_mem>>) src(%dma_wait3A_308 : memref<1568x8xf32, #tpu.memory_space<vmem>>) dst(%dma_wait3A_304 : memref<1568x8xf32, #tpu.memory_space<hbm>>)
        } else {
        }
        %mul3A_283 = arith.constant 1568 : i32
        %mul3A_284 = arith.muli %sub3A_273, %mul3A_283 : i32
        %dma_start3A_285 = arith.constant 2 : i32
        %dma_start3A_286 = arith.constant 0 : i32
        %dma_start3A_287 = arith.constant 0 : i32
        %dma_start3A_288 = tpu.memref_slice %arg6[%dma_start3A_285, %dma_start3A_286, %dma_start3A_287] : memref<4x1568x8xf32, #tpu.memory_space<vmem>> -> memref<1x1568x8xf32, #tpu.memory_space<vmem>>
        %dma_start3A_289 = tpu.memref_squeeze %dma_start3A_288 : memref<1x1568x8xf32, #tpu.memory_space<vmem>> -> memref<1568x8xf32, #tpu.memory_space<vmem>>
        %dma_start3A_290 = tpu.memref_slice %arg5[%mul3A_284] : memref<50176xi32, #tpu.memory_space<vmem>> -> memref<1568xi32, #tpu.memory_space<vmem>>
        %dma_start3A_291 = arith.constant 0 : i32
        %dma_start3A_292 = arith.constant 0 : i32
        %dma_start3A_293 = tpu.memref_slice %arg2[%dma_start3A_291, %dma_start3A_292] : memref<50000x8xf32, #tpu.memory_space<hbm>> -> memref<50000x8xf32, #tpu.memory_space<hbm>>
        tpu.enqueue_indirect_dma source(%dma_start3A_293 : memref<50000x8xf32, #tpu.memory_space<hbm>>) target(%dma_start3A_289 : memref<1568x8xf32, #tpu.memory_space<vmem>>) offsets(%dma_start3A_290 : memref<1568xi32, #tpu.memory_space<vmem>>) semaphore(%arg9 : memref<!tpu.dma_semaphore, #tpu.memory_space<semaphore_mem>>)
      } else {
      }
    }
    %scan3A_38 = arith.constant 8 : i32
    %mul3A_39 = arith.constant 32 : i32
    %mul3A_40 = arith.muli %mul3A_2, %mul3A_39 : i32
    %dma_wait3A = arith.constant 0 : i32
    %dma_wait3A_41 = arith.constant 0 : i32
    %dma_wait3A_42 = arith.constant 0 : i32
    %dma_wait3A_43 = tpu.memref_slice %arg6[%dma_wait3A, %dma_wait3A_41, %dma_wait3A_42] : memref<4x1568x8xf32, #tpu.memory_space<vmem>> -> memref<1x1568x8xf32, #tpu.memory_space<vmem>>
    %dma_wait3A_44 = tpu.memref_squeeze %dma_wait3A_43 : memref<1x1568x8xf32, #tpu.memory_space<vmem>> -> memref<1568x8xf32, #tpu.memory_space<vmem>>
    %dma_wait3A_45 = arith.constant 0 : i32
    %dma_wait3A_46 = tpu.memref_slice %arg4[%mul3A_40, %dma_wait3A_45] : memref<1605632x8xf32, #tpu.memory_space<hbm>> -> memref<1568x8xf32, #tpu.memory_space<hbm>>
    %dma_wait3A_47 = arith.constant 0 : i32
    %dma_wait3A_48 = tpu.memref_slice %arg4[%mul3A_40, %dma_wait3A_47] : memref<1605632x8xf32, #tpu.memory_space<hbm>> -> memref<1568x8xf32, #tpu.memory_space<hbm>>
    %dma_wait3A_49 = arith.constant 0 : i32
    %dma_wait3A_50 = arith.constant 0 : i32
    %dma_wait3A_51 = tpu.memref_slice %arg6[%dma_wait3A, %dma_wait3A_49, %dma_wait3A_50] : memref<4x1568x8xf32, #tpu.memory_space<vmem>> -> memref<1x1568x8xf32, #tpu.memory_space<vmem>>
    %dma_wait3A_52 = tpu.memref_squeeze %dma_wait3A_51 : memref<1x1568x8xf32, #tpu.memory_space<vmem>> -> memref<1568x8xf32, #tpu.memory_space<vmem>>
    tpu.wait_dma2 semaphore(%arg11 : memref<!tpu.dma_semaphore, #tpu.memory_space<semaphore_mem>>) src(%dma_wait3A_52 : memref<1568x8xf32, #tpu.memory_space<vmem>>) dst(%dma_wait3A_48 : memref<1568x8xf32, #tpu.memory_space<hbm>>)
    %mul3A_53 = arith.constant 32 : i32
    %mul3A_54 = arith.muli %mul3A_2, %mul3A_53 : i32
    %dma_wait3A_55 = arith.constant 1 : i32
    %dma_wait3A_56 = arith.constant 0 : i32
    %dma_wait3A_57 = arith.constant 0 : i32
    %dma_wait3A_58 = tpu.memref_slice %arg6[%dma_wait3A_55, %dma_wait3A_56, %dma_wait3A_57] : memref<4x1568x8xf32, #tpu.memory_space<vmem>> -> memref<1x1568x8xf32, #tpu.memory_space<vmem>>
    %dma_wait3A_59 = tpu.memref_squeeze %dma_wait3A_58 : memref<1x1568x8xf32, #tpu.memory_space<vmem>> -> memref<1568x8xf32, #tpu.memory_space<vmem>>
    %dma_wait3A_60 = arith.constant 0 : i32
    %dma_wait3A_61 = tpu.memref_slice %arg4[%mul3A_54, %dma_wait3A_60] : memref<1605632x8xf32, #tpu.memory_space<hbm>> -> memref<1568x8xf32, #tpu.memory_space<hbm>>
    %dma_wait3A_62 = arith.constant 0 : i32
    %dma_wait3A_63 = tpu.memref_slice %arg4[%mul3A_54, %dma_wait3A_62] : memref<1605632x8xf32, #tpu.memory_space<hbm>> -> memref<1568x8xf32, #tpu.memory_space<hbm>>
    %dma_wait3A_64 = arith.constant 0 : i32
    %dma_wait3A_65 = arith.constant 0 : i32
    %dma_wait3A_66 = tpu.memref_slice %arg6[%dma_wait3A_55, %dma_wait3A_64, %dma_wait3A_65] : memref<4x1568x8xf32, #tpu.memory_space<vmem>> -> memref<1x1568x8xf32, #tpu.memory_space<vmem>>
    %dma_wait3A_67 = tpu.memref_squeeze %dma_wait3A_66 : memref<1x1568x8xf32, #tpu.memory_space<vmem>> -> memref<1568x8xf32, #tpu.memory_space<vmem>>
    tpu.wait_dma2 semaphore(%arg12 : memref<!tpu.dma_semaphore, #tpu.memory_space<semaphore_mem>>) src(%dma_wait3A_67 : memref<1568x8xf32, #tpu.memory_space<vmem>>) dst(%dma_wait3A_63 : memref<1568x8xf32, #tpu.memory_space<hbm>>)
    %mul3A_68 = arith.constant 32 : i32
    %mul3A_69 = arith.muli %mul3A_2, %mul3A_68 : i32
    %dma_wait3A_70 = arith.constant 2 : i32
    %dma_wait3A_71 = arith.constant 0 : i32
    %dma_wait3A_72 = arith.constant 0 : i32
    %dma_wait3A_73 = tpu.memref_slice %arg6[%dma_wait3A_70, %dma_wait3A_71, %dma_wait3A_72] : memref<4x1568x8xf32, #tpu.memory_space<vmem>> -> memref<1x1568x8xf32, #tpu.memory_space<vmem>>
    %dma_wait3A_74 = tpu.memref_squeeze %dma_wait3A_73 : memref<1x1568x8xf32, #tpu.memory_space<vmem>> -> memref<1568x8xf32, #tpu.memory_space<vmem>>
    %dma_wait3A_75 = arith.constant 0 : i32
    %dma_wait3A_76 = tpu.memref_slice %arg4[%mul3A_69, %dma_wait3A_75] : memref<1605632x8xf32, #tpu.memory_space<hbm>> -> memref<1568x8xf32, #tpu.memory_space<hbm>>
    %dma_wait3A_77 = arith.constant 0 : i32
    %dma_wait3A_78 = tpu.memref_slice %arg4[%mul3A_69, %dma_wait3A_77] : memref<1605632x8xf32, #tpu.memory_space<hbm>> -> memref<1568x8xf32, #tpu.memory_space<hbm>>
    %dma_wait3A_79 = arith.constant 0 : i32
    %dma_wait3A_80 = arith.constant 0 : i32
    %dma_wait3A_81 = tpu.memref_slice %arg6[%dma_wait3A_70, %dma_wait3A_79, %dma_wait3A_80] : memref<4x1568x8xf32, #tpu.memory_space<vmem>> -> memref<1x1568x8xf32, #tpu.memory_space<vmem>>
    %dma_wait3A_82 = tpu.memref_squeeze %dma_wait3A_81 : memref<1x1568x8xf32, #tpu.memory_space<vmem>> -> memref<1568x8xf32, #tpu.memory_space<vmem>>
    tpu.wait_dma2 semaphore(%arg13 : memref<!tpu.dma_semaphore, #tpu.memory_space<semaphore_mem>>) src(%dma_wait3A_82 : memref<1568x8xf32, #tpu.memory_space<vmem>>) dst(%dma_wait3A_78 : memref<1568x8xf32, #tpu.memory_space<hbm>>)
    %mul3A_83 = arith.constant 32 : i32
    %mul3A_84 = arith.muli %mul3A_2, %mul3A_83 : i32
    %dma_wait3A_85 = arith.constant 3 : i32
    %dma_wait3A_86 = arith.constant 0 : i32
    %dma_wait3A_87 = arith.constant 0 : i32
    %dma_wait3A_88 = tpu.memref_slice %arg6[%dma_wait3A_85, %dma_wait3A_86, %dma_wait3A_87] : memref<4x1568x8xf32, #tpu.memory_space<vmem>> -> memref<1x1568x8xf32, #tpu.memory_space<vmem>>
    %dma_wait3A_89 = tpu.memref_squeeze %dma_wait3A_88 : memref<1x1568x8xf32, #tpu.memory_space<vmem>> -> memref<1568x8xf32, #tpu.memory_space<vmem>>
    %dma_wait3A_90 = arith.constant 0 : i32
    %dma_wait3A_91 = tpu.memref_slice %arg4[%mul3A_84, %dma_wait3A_90] : memref<1605632x8xf32, #tpu.memory_space<hbm>> -> memref<1568x8xf32, #tpu.memory_space<hbm>>
    %dma_wait3A_92 = arith.constant 0 : i32
    %dma_wait3A_93 = tpu.memref_slice %arg4[%mul3A_84, %dma_wait3A_92] : memref<1605632x8xf32, #tpu.memory_space<hbm>> -> memref<1568x8xf32, #tpu.memory_space<hbm>>
    %dma_wait3A_94 = arith.constant 0 : i32
    %dma_wait3A_95 = arith.constant 0 : i32
    %dma_wait3A_96 = tpu.memref_slice %arg6[%dma_wait3A_85, %dma_wait3A_94, %dma_wait3A_95] : memref<4x1568x8xf32, #tpu.memory_space<vmem>> -> memref<1x1568x8xf32, #tpu.memory_space<vmem>>
    %dma_wait3A_97 = tpu.memref_squeeze %dma_wait3A_96 : memref<1x1568x8xf32, #tpu.memory_space<vmem>> -> memref<1568x8xf32, #tpu.memory_space<vmem>>
    tpu.wait_dma2 semaphore(%arg14 : memref<!tpu.dma_semaphore, #tpu.memory_space<semaphore_mem>>) src(%dma_wait3A_97 : memref<1568x8xf32, #tpu.memory_space<vmem>>) dst(%dma_wait3A_93 : memref<1568x8xf32, #tpu.memory_space<hbm>>)
    return
  }
}

module attributes {stable_mosaic.version = 14 : i64} {
  func.func @_tc_body(%arg0: i32, %arg1: memref<1568x256xf32, #tpu.memory_space<vmem>>, %arg2: memref<1568x96xf32, #tpu.memory_space<vmem>>, %arg3: memref<1568x3xf32, #tpu.memory_space<vmem>>, %arg4: memref<1568x1xf32, #tpu.memory_space<vmem>>, %arg5: memref<512x32xf32, #tpu.memory_space<vmem>>, %arg6: memref<32x8xf32, #tpu.memory_space<vmem>>, %arg7: memref<1x48xi32, #tpu.memory_space<vmem>>, %arg8: memref<1x16xi32, #tpu.memory_space<vmem>>, %arg9: memref<1x96xi32, #tpu.memory_space<vmem>>, %arg10: memref<1x32xi32, #tpu.memory_space<vmem>>, %arg11: memref<1x32xi32, #tpu.memory_space<vmem>>, %arg12: memref<1x32xi32, #tpu.memory_space<vmem>>, %arg13: memref<1568x8xf32, #tpu.memory_space<vmem>>) attributes {dimension_semantics = [#tpu.dimension_semantics<arbitrary>], iteration_bounds = array<i64: 32>, scalar_prefetch = 0 : i64, scratch_operands = 0 : i64, tpu.core_type = #tpu.core_type<tc>, window_params = [{transform_indices = @transform_0, window_bounds = array<i64: 1568, 256>}, {transform_indices = @transform_1, window_bounds = array<i64: 1568, 96>}, {transform_indices = @transform_2, window_bounds = array<i64: 1568, 3>}, {transform_indices = @transform_3, window_bounds = array<i64: 1568, 1>}, {pipeline_mode = #tpu.pipeline_mode<synchronous>, transform_indices = @transform_4, window_bounds = array<i64: 512, 32>}, {pipeline_mode = #tpu.pipeline_mode<synchronous>, transform_indices = @transform_5, window_bounds = array<i64: 32, 8>}, {pipeline_mode = #tpu.pipeline_mode<synchronous>, transform_indices = @transform_6, window_bounds = array<i64: 1, 48>}, {pipeline_mode = #tpu.pipeline_mode<synchronous>, transform_indices = @transform_7, window_bounds = array<i64: 1, 16>}, {pipeline_mode = #tpu.pipeline_mode<synchronous>, transform_indices = @transform_8, window_bounds = array<i64: 1, 96>}, {pipeline_mode = #tpu.pipeline_mode<synchronous>, transform_indices = @transform_9, window_bounds = array<i64: 1, 32>}, {pipeline_mode = #tpu.pipeline_mode<synchronous>, transform_indices = @transform_10, window_bounds = array<i64: 1, 32>}, {pipeline_mode = #tpu.pipeline_mode<synchronous>, transform_indices = @transform_11, window_bounds = array<i64: 1, 32>}, {transform_indices = @transform_12, window_bounds = array<i64: 1568, 8>}]} {
    %get3A = arith.constant 0 : index
    %get3A_0 = arith.constant 0 : index
    %get3A_1 = vector.load %arg1[%get3A, %get3A_0] : memref<1568x256xf32, #tpu.memory_space<vmem>>, vector<1568x256xf32>
    %slice3A = vector.extract_strided_slice %get3A_1 {offsets = [0, 0], sizes = [1568, 128], strides = [1, 1]} : vector<1568x256xf32> to vector<1568x128xf32>
    %slice3A_2 = vector.extract_strided_slice %get3A_1 {offsets = [0, 128], sizes = [1568, 128], strides = [1, 1]} : vector<1568x256xf32> to vector<1568x128xf32>
    %get3A_3 = arith.constant 0 : index
    %get3A_4 = arith.constant 0 : index
    %get3A_5 = vector.load %arg7[%get3A_3, %get3A_4] : memref<1x48xi32, #tpu.memory_space<vmem>>, vector<1x48xi32>
    %broadcast_in_dim3A = vector.shape_cast %get3A_5 : vector<1x48xi32> to vector<1x48xi32>
    %broadcast_in_dim3A_6 = vector.broadcast %broadcast_in_dim3A : vector<1x48xi32> to vector<1568x48xi32>
    %lt3A = arith.constant 0 : i32
    %lt3A_7 = vector.broadcast %lt3A : i32 to vector<1568x48xi32>
    %lt3A_8 = arith.cmpi slt, %broadcast_in_dim3A_6, %lt3A_7 : vector<1568x48xi32>
    %add3A = arith.constant 128 : i32
    %add3A_9 = vector.broadcast %add3A : i32 to vector<1568x48xi32>
    %add3A_10 = arith.addi %broadcast_in_dim3A_6, %add3A_9 : vector<1568x48xi32>
    %select_n3A = arith.select %lt3A_8, %add3A_10, %broadcast_in_dim3A_6 : vector<1568x48xi1>, vector<1568x48xi32>
    %reshape3A = vector.shape_cast %select_n3A : vector<1568x48xi32> to vector<1568x48x1xi32>
    %gather3A = vector.shape_cast %reshape3A : vector<1568x48x1xi32> to vector<1568x48xi32>
    %gather3A_11 = tpu.dynamic_gather %slice3A[%gather3A] in [1] : vector<1568x128xf32>, vector<1568x48xi32> -> vector<1568x48xf32>
    %get3A_12 = arith.constant 0 : index
    %get3A_13 = arith.constant 0 : index
    %get3A_14 = vector.load %arg7[%get3A_12, %get3A_13] : memref<1x48xi32, #tpu.memory_space<vmem>>, vector<1x48xi32>
    %broadcast_in_dim3A_15 = vector.shape_cast %get3A_14 : vector<1x48xi32> to vector<1x48xi32>
    %broadcast_in_dim3A_16 = vector.broadcast %broadcast_in_dim3A_15 : vector<1x48xi32> to vector<1568x48xi32>
    %lt3A_17 = arith.constant 0 : i32
    %lt3A_18 = vector.broadcast %lt3A_17 : i32 to vector<1568x48xi32>
    %lt3A_19 = arith.cmpi slt, %broadcast_in_dim3A_16, %lt3A_18 : vector<1568x48xi32>
    %add3A_20 = arith.constant 128 : i32
    %add3A_21 = vector.broadcast %add3A_20 : i32 to vector<1568x48xi32>
    %add3A_22 = arith.addi %broadcast_in_dim3A_16, %add3A_21 : vector<1568x48xi32>
    %select_n3A_23 = arith.select %lt3A_19, %add3A_22, %broadcast_in_dim3A_16 : vector<1568x48xi1>, vector<1568x48xi32>
    %reshape3A_24 = vector.shape_cast %select_n3A_23 : vector<1568x48xi32> to vector<1568x48x1xi32>
    %gather3A_25 = vector.shape_cast %reshape3A_24 : vector<1568x48x1xi32> to vector<1568x48xi32>
    %gather3A_26 = tpu.dynamic_gather %slice3A_2[%gather3A_25] in [1] : vector<1568x128xf32>, vector<1568x48xi32> -> vector<1568x48xf32>
    %concatenate3A = tpu.concatenate %gather3A_11, %gather3A_26 in 1 : vector<1568x48xf32>, vector<1568x48xf32> -> vector<1568x96xf32>
    %get3A_27 = arith.constant 0 : index
    %get3A_28 = arith.constant 0 : index
    %get3A_29 = vector.load %arg8[%get3A_27, %get3A_28] : memref<1x16xi32, #tpu.memory_space<vmem>>, vector<1x16xi32>
    %broadcast_in_dim3A_30 = vector.shape_cast %get3A_29 : vector<1x16xi32> to vector<1x16xi32>
    %broadcast_in_dim3A_31 = vector.broadcast %broadcast_in_dim3A_30 : vector<1x16xi32> to vector<1568x16xi32>
    %lt3A_32 = arith.constant 0 : i32
    %lt3A_33 = vector.broadcast %lt3A_32 : i32 to vector<1568x16xi32>
    %lt3A_34 = arith.cmpi slt, %broadcast_in_dim3A_31, %lt3A_33 : vector<1568x16xi32>
    %add3A_35 = arith.constant 128 : i32
    %add3A_36 = vector.broadcast %add3A_35 : i32 to vector<1568x16xi32>
    %add3A_37 = arith.addi %broadcast_in_dim3A_31, %add3A_36 : vector<1568x16xi32>
    %select_n3A_38 = arith.select %lt3A_34, %add3A_37, %broadcast_in_dim3A_31 : vector<1568x16xi1>, vector<1568x16xi32>
    %reshape3A_39 = vector.shape_cast %select_n3A_38 : vector<1568x16xi32> to vector<1568x16x1xi32>
    %gather3A_40 = vector.shape_cast %reshape3A_39 : vector<1568x16x1xi32> to vector<1568x16xi32>
    %gather3A_41 = tpu.dynamic_gather %slice3A[%gather3A_40] in [1] : vector<1568x128xf32>, vector<1568x16xi32> -> vector<1568x16xf32>
    %get3A_42 = arith.constant 0 : index
    %get3A_43 = arith.constant 0 : index
    %get3A_44 = vector.load %arg8[%get3A_42, %get3A_43] : memref<1x16xi32, #tpu.memory_space<vmem>>, vector<1x16xi32>
    %broadcast_in_dim3A_45 = vector.shape_cast %get3A_44 : vector<1x16xi32> to vector<1x16xi32>
    %broadcast_in_dim3A_46 = vector.broadcast %broadcast_in_dim3A_45 : vector<1x16xi32> to vector<1568x16xi32>
    %lt3A_47 = arith.constant 0 : i32
    %lt3A_48 = vector.broadcast %lt3A_47 : i32 to vector<1568x16xi32>
    %lt3A_49 = arith.cmpi slt, %broadcast_in_dim3A_46, %lt3A_48 : vector<1568x16xi32>
    %add3A_50 = arith.constant 128 : i32
    %add3A_51 = vector.broadcast %add3A_50 : i32 to vector<1568x16xi32>
    %add3A_52 = arith.addi %broadcast_in_dim3A_46, %add3A_51 : vector<1568x16xi32>
    %select_n3A_53 = arith.select %lt3A_49, %add3A_52, %broadcast_in_dim3A_46 : vector<1568x16xi1>, vector<1568x16xi32>
    %reshape3A_54 = vector.shape_cast %select_n3A_53 : vector<1568x16xi32> to vector<1568x16x1xi32>
    %gather3A_55 = vector.shape_cast %reshape3A_54 : vector<1568x16x1xi32> to vector<1568x16xi32>
    %gather3A_56 = tpu.dynamic_gather %slice3A_2[%gather3A_55] in [1] : vector<1568x128xf32>, vector<1568x16xi32> -> vector<1568x16xf32>
    %concatenate3A_57 = tpu.concatenate %gather3A_41, %gather3A_56 in 1 : vector<1568x16xf32>, vector<1568x16xf32> -> vector<1568x32xf32>
    %get3A_58 = arith.constant 0 : index
    %get3A_59 = arith.constant 0 : index
    %get3A_60 = vector.load %arg3[%get3A_58, %get3A_59] : memref<1568x3xf32, #tpu.memory_space<vmem>>, vector<1568x3xf32>
    %get3A_61 = arith.constant 0 : index
    %get3A_62 = arith.constant 0 : index
    %get3A_63 = vector.load %arg9[%get3A_61, %get3A_62] : memref<1x96xi32, #tpu.memory_space<vmem>>, vector<1x96xi32>
    %broadcast_in_dim3A_64 = vector.shape_cast %get3A_63 : vector<1x96xi32> to vector<1x96xi32>
    %broadcast_in_dim3A_65 = vector.broadcast %broadcast_in_dim3A_64 : vector<1x96xi32> to vector<1568x96xi32>
    %lt3A_66 = arith.constant 0 : i32
    %lt3A_67 = vector.broadcast %lt3A_66 : i32 to vector<1568x96xi32>
    %lt3A_68 = arith.cmpi slt, %broadcast_in_dim3A_65, %lt3A_67 : vector<1568x96xi32>
    %add3A_69 = arith.constant 3 : i32
    %add3A_70 = vector.broadcast %add3A_69 : i32 to vector<1568x96xi32>
    %add3A_71 = arith.addi %broadcast_in_dim3A_65, %add3A_70 : vector<1568x96xi32>
    %select_n3A_72 = arith.select %lt3A_68, %add3A_71, %broadcast_in_dim3A_65 : vector<1568x96xi1>, vector<1568x96xi32>
    %reshape3A_73 = vector.shape_cast %select_n3A_72 : vector<1568x96xi32> to vector<1568x96x1xi32>
    %gather3A_74 = vector.shape_cast %reshape3A_73 : vector<1568x96x1xi32> to vector<1568x96xi32>
    %gather3A_75 = tpu.dynamic_gather %get3A_60[%gather3A_74] in [1] : vector<1568x3xf32>, vector<1568x96xi32> -> vector<1568x96xf32>
    %get3A_76 = arith.constant 0 : index
    %get3A_77 = arith.constant 0 : index
    %get3A_78 = vector.load %arg2[%get3A_76, %get3A_77] : memref<1568x96xf32, #tpu.memory_space<vmem>>, vector<1568x96xf32>
    %add3A_79 = arith.addf %concatenate3A, %get3A_78 : vector<1568x96xf32>
    %sub3A = arith.subf %add3A_79, %gather3A_75 : vector<1568x96xf32>
    %mul3A = arith.mulf %sub3A, %sub3A : vector<1568x96xf32>
    %get3A_80 = arith.constant 0 : index
    %get3A_81 = arith.constant 0 : index
    %get3A_82 = vector.load %arg10[%get3A_80, %get3A_81] : memref<1x32xi32, #tpu.memory_space<vmem>>, vector<1x32xi32>
    %broadcast_in_dim3A_83 = vector.shape_cast %get3A_82 : vector<1x32xi32> to vector<1x32xi32>
    %broadcast_in_dim3A_84 = vector.broadcast %broadcast_in_dim3A_83 : vector<1x32xi32> to vector<1568x32xi32>
    %lt3A_85 = arith.constant 0 : i32
    %lt3A_86 = vector.broadcast %lt3A_85 : i32 to vector<1568x32xi32>
    %lt3A_87 = arith.cmpi slt, %broadcast_in_dim3A_84, %lt3A_86 : vector<1568x32xi32>
    %add3A_88 = arith.constant 96 : i32
    %add3A_89 = vector.broadcast %add3A_88 : i32 to vector<1568x32xi32>
    %add3A_90 = arith.addi %broadcast_in_dim3A_84, %add3A_89 : vector<1568x32xi32>
    %select_n3A_91 = arith.select %lt3A_87, %add3A_90, %broadcast_in_dim3A_84 : vector<1568x32xi1>, vector<1568x32xi32>
    %reshape3A_92 = vector.shape_cast %select_n3A_91 : vector<1568x32xi32> to vector<1568x32x1xi32>
    %gather3A_93 = vector.shape_cast %reshape3A_92 : vector<1568x32x1xi32> to vector<1568x32xi32>
    %gather3A_94 = tpu.dynamic_gather %mul3A[%gather3A_93] in [1] : vector<1568x96xf32>, vector<1568x32xi32> -> vector<1568x32xf32>
    %get3A_95 = arith.constant 0 : index
    %get3A_96 = arith.constant 0 : index
    %get3A_97 = vector.load %arg11[%get3A_95, %get3A_96] : memref<1x32xi32, #tpu.memory_space<vmem>>, vector<1x32xi32>
    %broadcast_in_dim3A_98 = vector.shape_cast %get3A_97 : vector<1x32xi32> to vector<1x32xi32>
    %broadcast_in_dim3A_99 = vector.broadcast %broadcast_in_dim3A_98 : vector<1x32xi32> to vector<1568x32xi32>
    %lt3A_100 = arith.constant 0 : i32
    %lt3A_101 = vector.broadcast %lt3A_100 : i32 to vector<1568x32xi32>
    %lt3A_102 = arith.cmpi slt, %broadcast_in_dim3A_99, %lt3A_101 : vector<1568x32xi32>
    %add3A_103 = arith.constant 96 : i32
    %add3A_104 = vector.broadcast %add3A_103 : i32 to vector<1568x32xi32>
    %add3A_105 = arith.addi %broadcast_in_dim3A_99, %add3A_104 : vector<1568x32xi32>
    %select_n3A_106 = arith.select %lt3A_102, %add3A_105, %broadcast_in_dim3A_99 : vector<1568x32xi1>, vector<1568x32xi32>
    %reshape3A_107 = vector.shape_cast %select_n3A_106 : vector<1568x32xi32> to vector<1568x32x1xi32>
    %gather3A_108 = vector.shape_cast %reshape3A_107 : vector<1568x32x1xi32> to vector<1568x32xi32>
    %gather3A_109 = tpu.dynamic_gather %mul3A[%gather3A_108] in [1] : vector<1568x96xf32>, vector<1568x32xi32> -> vector<1568x32xf32>
    %add3A_110 = arith.addf %gather3A_94, %gather3A_109 : vector<1568x32xf32>
    %get3A_111 = arith.constant 0 : index
    %get3A_112 = arith.constant 0 : index
    %get3A_113 = vector.load %arg12[%get3A_111, %get3A_112] : memref<1x32xi32, #tpu.memory_space<vmem>>, vector<1x32xi32>
    %broadcast_in_dim3A_114 = vector.shape_cast %get3A_113 : vector<1x32xi32> to vector<1x32xi32>
    %broadcast_in_dim3A_115 = vector.broadcast %broadcast_in_dim3A_114 : vector<1x32xi32> to vector<1568x32xi32>
    %lt3A_116 = arith.constant 0 : i32
    %lt3A_117 = vector.broadcast %lt3A_116 : i32 to vector<1568x32xi32>
    %lt3A_118 = arith.cmpi slt, %broadcast_in_dim3A_115, %lt3A_117 : vector<1568x32xi32>
    %add3A_119 = arith.constant 96 : i32
    %add3A_120 = vector.broadcast %add3A_119 : i32 to vector<1568x32xi32>
    %add3A_121 = arith.addi %broadcast_in_dim3A_115, %add3A_120 : vector<1568x32xi32>
    %select_n3A_122 = arith.select %lt3A_118, %add3A_121, %broadcast_in_dim3A_115 : vector<1568x32xi1>, vector<1568x32xi32>
    %reshape3A_123 = vector.shape_cast %select_n3A_122 : vector<1568x32xi32> to vector<1568x32x1xi32>
    %gather3A_124 = vector.shape_cast %reshape3A_123 : vector<1568x32x1xi32> to vector<1568x32xi32>
    %gather3A_125 = tpu.dynamic_gather %mul3A[%gather3A_124] in [1] : vector<1568x96xf32>, vector<1568x32xi32> -> vector<1568x32xf32>
    %add3A_126 = arith.addf %add3A_110, %gather3A_125 : vector<1568x32xf32>
    %sqrt3A = math.sqrt %add3A_126 : vector<1568x32xf32>
    %mul3A_127 = arith.constant 0.166666672 : f32
    %mul3A_128 = vector.broadcast %mul3A_127 : f32 to vector<1568x32xf32>
    %mul3A_129 = arith.mulf %sqrt3A, %mul3A_128 : vector<1568x32xf32>
    %mul3A_130 = arith.mulf %mul3A_129, %mul3A_129 : vector<1568x32xf32>
    %mul3A_131 = arith.constant 0.00159333879 : f32
    %mul3A_132 = vector.broadcast %mul3A_131 : f32 to vector<1568x32xf32>
    %mul3A_133 = arith.mulf %mul3A_132, %mul3A_130 : vector<1568x32xf32>
    %add3A_134 = arith.constant -0.0253587235 : f32
    %add3A_135 = vector.broadcast %add3A_134 : f32 to vector<1568x32xf32>
    %add3A_136 = arith.addf %mul3A_133, %add3A_135 : vector<1568x32xf32>
    %mul3A_137 = arith.mulf %add3A_136, %mul3A_130 : vector<1568x32xf32>
    %add3A_138 = arith.constant 0.235031039 : f32
    %add3A_139 = vector.broadcast %add3A_138 : f32 to vector<1568x32xf32>
    %add3A_140 = arith.addf %mul3A_137, %add3A_139 : vector<1568x32xf32>
    %mul3A_141 = arith.mulf %add3A_140, %mul3A_130 : vector<1568x32xf32>
    %add3A_142 = arith.constant -1.33515978 : f32
    %add3A_143 = vector.broadcast %add3A_142 : f32 to vector<1568x32xf32>
    %add3A_144 = arith.addf %mul3A_141, %add3A_143 : vector<1568x32xf32>
    %mul3A_145 = arith.mulf %add3A_144, %mul3A_130 : vector<1568x32xf32>
    %add3A_146 = arith.constant 4.05869532 : f32
    %add3A_147 = vector.broadcast %add3A_146 : f32 to vector<1568x32xf32>
    %add3A_148 = arith.addf %mul3A_145, %add3A_147 : vector<1568x32xf32>
    %mul3A_149 = arith.mulf %add3A_148, %mul3A_130 : vector<1568x32xf32>
    %add3A_150 = arith.constant -4.9348011 : f32
    %add3A_151 = vector.broadcast %add3A_150 : f32 to vector<1568x32xf32>
    %add3A_152 = arith.addf %mul3A_149, %add3A_151 : vector<1568x32xf32>
    %mul3A_153 = arith.mulf %add3A_152, %mul3A_130 : vector<1568x32xf32>
    %add3A_154 = arith.constant 1.000000e+00 : f32
    %add3A_155 = vector.broadcast %add3A_154 : f32 to vector<1568x32xf32>
    %add3A_156 = arith.addf %mul3A_153, %add3A_155 : vector<1568x32xf32>
    %lt3A_157 = arith.constant 1.000000e+00 : f32
    %lt3A_158 = vector.broadcast %lt3A_157 : f32 to vector<1568x32xf32>
    %lt3A_159 = arith.cmpf olt, %mul3A_129, %lt3A_158 : vector<1568x32xf32>
    %mul3A_160 = arith.constant 5.000000e-01 : f32
    %mul3A_161 = vector.broadcast %mul3A_160 : f32 to vector<1568x32xf32>
    %mul3A_162 = arith.mulf %mul3A_161, %add3A_156 : vector<1568x32xf32>
    %add3A_163 = arith.constant 5.000000e-01 : f32
    %add3A_164 = vector.broadcast %add3A_163 : f32 to vector<1568x32xf32>
    %add3A_165 = arith.addf %mul3A_162, %add3A_164 : vector<1568x32xf32>
    %jit3A = arith.constant 0.000000e+00 : f32
    %broadcast_in_dim3A_166 = vector.broadcast %jit3A : f32 to vector<1568x32xf32>
    %select_n3A_167 = arith.select %lt3A_159, %add3A_165, %broadcast_in_dim3A_166 : vector<1568x32xi1>, vector<1568x32xf32>
    %sub3A_168 = arith.constant 1.000000e+00 : f32
    %sub3A_169 = vector.broadcast %sub3A_168 : f32 to vector<1568x32xf32>
    %sub3A_170 = arith.subf %mul3A_129, %sub3A_169 : vector<1568x32xf32>
    %square3A = arith.mulf %sub3A_170, %sub3A_170 : vector<1568x32xf32>
    %mul3A_171 = arith.constant 2.000000e+00 : f32
    %mul3A_172 = vector.broadcast %mul3A_171 : f32 to vector<1568x32xf32>
    %mul3A_173 = arith.mulf %mul3A_172, %square3A : vector<1568x32xf32>
    %sub3A_174 = arith.constant 1.000000e+00 : f32
    %sub3A_175 = vector.broadcast %sub3A_174 : f32 to vector<1568x32xf32>
    %sub3A_176 = arith.subf %mul3A_173, %sub3A_175 : vector<1568x32xf32>
    %mul3A_177 = arith.constant 5.000000e-01 : f32
    %mul3A_178 = vector.broadcast %mul3A_177 : f32 to vector<1568x32xf32>
    %mul3A_179 = arith.mulf %mul3A_178, %select_n3A_167 : vector<1568x32xf32>
    %add3A_180 = arith.addf %mul3A_179, %mul3A_179 : vector<1568x32xf32>
    %add3A_181 = arith.constant 1.000000e+00 : f32
    %add3A_182 = vector.broadcast %add3A_181 : f32 to vector<1568x32xf32>
    %add3A_183 = arith.addf %sub3A_176, %add3A_182 : vector<1568x32xf32>
    %mul3A_184 = arith.mulf %add3A_183, %mul3A_179 : vector<1568x32xf32>
    %mul3A_185 = arith.constant 2.000000e+00 : f32
    %mul3A_186 = vector.broadcast %mul3A_185 : f32 to vector<1568x32xf32>
    %mul3A_187 = arith.mulf %mul3A_186, %sub3A_176 : vector<1568x32xf32>
    %mul3A_188 = arith.mulf %mul3A_187, %sub3A_176 : vector<1568x32xf32>
    %sub3A_189 = arith.constant 1.000000e+00 : f32
    %sub3A_190 = vector.broadcast %sub3A_189 : f32 to vector<1568x32xf32>
    %sub3A_191 = arith.subf %mul3A_188, %sub3A_190 : vector<1568x32xf32>
    %add3A_192 = arith.constant 1.000000e+00 : f32
    %add3A_193 = vector.broadcast %add3A_192 : f32 to vector<1568x32xf32>
    %add3A_194 = arith.addf %sub3A_191, %add3A_193 : vector<1568x32xf32>
    %mul3A_195 = arith.mulf %add3A_194, %mul3A_179 : vector<1568x32xf32>
    %mul3A_196 = arith.constant 2.000000e+00 : f32
    %mul3A_197 = vector.broadcast %mul3A_196 : f32 to vector<1568x32xf32>
    %mul3A_198 = arith.mulf %mul3A_197, %sub3A_176 : vector<1568x32xf32>
    %mul3A_199 = arith.mulf %mul3A_198, %sub3A_191 : vector<1568x32xf32>
    %sub3A_200 = arith.subf %mul3A_199, %sub3A_176 : vector<1568x32xf32>
    %add3A_201 = arith.constant 1.000000e+00 : f32
    %add3A_202 = vector.broadcast %add3A_201 : f32 to vector<1568x32xf32>
    %add3A_203 = arith.addf %sub3A_200, %add3A_202 : vector<1568x32xf32>
    %mul3A_204 = arith.mulf %add3A_203, %mul3A_179 : vector<1568x32xf32>
    %concatenate3A_205 = tpu.concatenate %add3A_180, %mul3A_184, %mul3A_195, %mul3A_204 in 1 : vector<1568x32xf32>, vector<1568x32xf32>, vector<1568x32xf32>, vector<1568x32xf32> -> vector<1568x128xf32>
    %tile3A = tpu.concatenate %concatenate3A_57, %concatenate3A_57, %concatenate3A_57, %concatenate3A_57 in 1 : vector<1568x32xf32>, vector<1568x32xf32>, vector<1568x32xf32>, vector<1568x32xf32> -> vector<1568x128xf32>
    %get3A_206 = arith.constant 0 : index
    %get3A_207 = arith.constant 0 : index
    %get3A_208 = vector.load %arg5[%get3A_206, %get3A_207] : memref<512x32xf32, #tpu.memory_space<vmem>>, vector<512x32xf32>
    %broadcast_in_dim3A_209 = arith.constant 0.000000e+00 : f32
    %broadcast_in_dim3A_210 = vector.broadcast %broadcast_in_dim3A_209 : f32 to vector<1568x32xf32>
    %eq3A = arith.constant 0.000000e+00 : f32
    %eq3A_211 = vector.broadcast %eq3A : f32 to vector<1568x128xf32>
    %eq3A_212 = arith.cmpf oeq, %tile3A, %eq3A_211 : vector<1568x128xf32>
    %convert_element_type3A = arith.extui %eq3A_212 : vector<1568x128xi1> to vector<1568x128xi32>
    %convert_element_type3A_213 = arith.sitofp %convert_element_type3A : vector<1568x128xi32> to vector<1568x128xf32>
    %mul3A_214 = arith.mulf %concatenate3A_205, %convert_element_type3A_213 : vector<1568x128xf32>
    %slice3A_215 = vector.extract_strided_slice %get3A_208 {offsets = [0, 0], sizes = [128, 32], strides = [1, 1]} : vector<512x32xf32> to vector<128x32xf32>
    %dot_general3A = arith.constant dense<0.000000e+00> : vector<1568x32xf32>
    %dot_general3A_216 = tpu.matmul %mul3A_214, %slice3A_215, %dot_general3A {dimension_numbers = #tpu.dot_dimension_numbers<[1], [0], [0], [1], [0, 0, 1, 1], [], []>, precision = #tpu.contract_precision<fp32>, transpose_lhs_hint = false} : vector<1568x128xf32>, vector<128x32xf32>, vector<1568x32xf32> -> vector<1568x32xf32>
    %add3A_217 = arith.addf %broadcast_in_dim3A_210, %dot_general3A_216 : vector<1568x32xf32>
    %eq3A_218 = arith.constant 1.000000e+00 : f32
    %eq3A_219 = vector.broadcast %eq3A_218 : f32 to vector<1568x128xf32>
    %eq3A_220 = arith.cmpf oeq, %tile3A, %eq3A_219 : vector<1568x128xf32>
    %convert_element_type3A_221 = arith.extui %eq3A_220 : vector<1568x128xi1> to vector<1568x128xi32>
    %convert_element_type3A_222 = arith.sitofp %convert_element_type3A_221 : vector<1568x128xi32> to vector<1568x128xf32>
    %mul3A_223 = arith.mulf %concatenate3A_205, %convert_element_type3A_222 : vector<1568x128xf32>
    %slice3A_224 = vector.extract_strided_slice %get3A_208 {offsets = [128, 0], sizes = [128, 32], strides = [1, 1]} : vector<512x32xf32> to vector<128x32xf32>
    %dot_general3A_225 = arith.constant dense<0.000000e+00> : vector<1568x32xf32>
    %dot_general3A_226 = tpu.matmul %mul3A_223, %slice3A_224, %dot_general3A_225 {dimension_numbers = #tpu.dot_dimension_numbers<[1], [0], [0], [1], [0, 0, 1, 1], [], []>, precision = #tpu.contract_precision<fp32>, transpose_lhs_hint = false} : vector<1568x128xf32>, vector<128x32xf32>, vector<1568x32xf32> -> vector<1568x32xf32>
    %add3A_227 = arith.addf %add3A_217, %dot_general3A_226 : vector<1568x32xf32>
    %eq3A_228 = arith.constant 2.000000e+00 : f32
    %eq3A_229 = vector.broadcast %eq3A_228 : f32 to vector<1568x128xf32>
    %eq3A_230 = arith.cmpf oeq, %tile3A, %eq3A_229 : vector<1568x128xf32>
    %convert_element_type3A_231 = arith.extui %eq3A_230 : vector<1568x128xi1> to vector<1568x128xi32>
    %convert_element_type3A_232 = arith.sitofp %convert_element_type3A_231 : vector<1568x128xi32> to vector<1568x128xf32>
    %mul3A_233 = arith.mulf %concatenate3A_205, %convert_element_type3A_232 : vector<1568x128xf32>
    %slice3A_234 = vector.extract_strided_slice %get3A_208 {offsets = [256, 0], sizes = [128, 32], strides = [1, 1]} : vector<512x32xf32> to vector<128x32xf32>
    %dot_general3A_235 = arith.constant dense<0.000000e+00> : vector<1568x32xf32>
    %dot_general3A_236 = tpu.matmul %mul3A_233, %slice3A_234, %dot_general3A_235 {dimension_numbers = #tpu.dot_dimension_numbers<[1], [0], [0], [1], [0, 0, 1, 1], [], []>, precision = #tpu.contract_precision<fp32>, transpose_lhs_hint = false} : vector<1568x128xf32>, vector<128x32xf32>, vector<1568x32xf32> -> vector<1568x32xf32>
    %add3A_237 = arith.addf %add3A_227, %dot_general3A_236 : vector<1568x32xf32>
    %eq3A_238 = arith.constant 3.000000e+00 : f32
    %eq3A_239 = vector.broadcast %eq3A_238 : f32 to vector<1568x128xf32>
    %eq3A_240 = arith.cmpf oeq, %tile3A, %eq3A_239 : vector<1568x128xf32>
    %convert_element_type3A_241 = arith.extui %eq3A_240 : vector<1568x128xi1> to vector<1568x128xi32>
    %convert_element_type3A_242 = arith.sitofp %convert_element_type3A_241 : vector<1568x128xi32> to vector<1568x128xf32>
    %mul3A_243 = arith.mulf %concatenate3A_205, %convert_element_type3A_242 : vector<1568x128xf32>
    %slice3A_244 = vector.extract_strided_slice %get3A_208 {offsets = [384, 0], sizes = [128, 32], strides = [1, 1]} : vector<512x32xf32> to vector<128x32xf32>
    %dot_general3A_245 = arith.constant dense<0.000000e+00> : vector<1568x32xf32>
    %dot_general3A_246 = tpu.matmul %mul3A_243, %slice3A_244, %dot_general3A_245 {dimension_numbers = #tpu.dot_dimension_numbers<[1], [0], [0], [1], [0, 0, 1, 1], [], []>, precision = #tpu.contract_precision<fp32>, transpose_lhs_hint = false} : vector<1568x128xf32>, vector<128x32xf32>, vector<1568x32xf32> -> vector<1568x32xf32>
    %add3A_247 = arith.addf %add3A_237, %dot_general3A_246 : vector<1568x32xf32>
    %get3A_248 = arith.constant 0 : index
    %get3A_249 = arith.constant 0 : index
    %get3A_250 = vector.load %arg4[%get3A_248, %get3A_249] : memref<1568x1xf32, #tpu.memory_space<vmem>>, vector<1568x1xf32>
    %iota3A = tpu.iota {dimensions = array<i32: 1>} : vector<1568x32xi32>
    %jit3A_251 = arith.constant 8 : i32
    %div3A = vector.broadcast %jit3A_251 : i32 to vector<1568x32xi32>
    %div3A_252 = arith.divsi %iota3A, %div3A : vector<1568x32xi32>
    %sign3A = arith.constant 0 : i32
    %sign3A_253 = vector.broadcast %sign3A : i32 to vector<1568x32xi32>
    %sign3A_254 = arith.cmpi sgt, %iota3A, %sign3A_253 : vector<1568x32xi32>
    %sign3A_255 = arith.extui %sign3A_254 : vector<1568x32xi1> to vector<1568x32xi32>
    %sign3A_256 = arith.constant 0 : i32
    %sign3A_257 = vector.broadcast %sign3A_256 : i32 to vector<1568x32xi32>
    %sign3A_258 = arith.cmpi slt, %iota3A, %sign3A_257 : vector<1568x32xi32>
    %sign3A_259 = arith.extui %sign3A_258 : vector<1568x32xi1> to vector<1568x32xi32>
    %sign3A_260 = arith.subi %sign3A_255, %sign3A_259 : vector<1568x32xi32>
    %sign3A_261 = arith.constant 0 : i32
    %sign3A_262 = arith.cmpi sgt, %jit3A_251, %sign3A_261 : i32
    %sign3A_263 = arith.extui %sign3A_262 : i1 to i32
    %sign3A_264 = arith.constant 0 : i32
    %sign3A_265 = arith.cmpi slt, %jit3A_251, %sign3A_264 : i32
    %sign3A_266 = arith.extui %sign3A_265 : i1 to i32
    %sign3A_267 = arith.subi %sign3A_263, %sign3A_266 : i32
    %ne3A = vector.broadcast %sign3A_267 : i32 to vector<1568x32xi32>
    %ne3A_268 = arith.cmpi ne, %sign3A_260, %ne3A : vector<1568x32xi32>
    %rem3A = vector.broadcast %jit3A_251 : i32 to vector<1568x32xi32>
    %rem3A_269 = arith.remsi %iota3A, %rem3A : vector<1568x32xi32>
    %ne3A_270 = arith.constant 0 : i32
    %ne3A_271 = vector.broadcast %ne3A_270 : i32 to vector<1568x32xi32>
    %ne3A_272 = arith.cmpi ne, %rem3A_269, %ne3A_271 : vector<1568x32xi32>
    %and3A = arith.andi %ne3A_268, %ne3A_272 : vector<1568x32xi1>
    %sub3A_273 = arith.constant 1 : i32
    %sub3A_274 = vector.broadcast %sub3A_273 : i32 to vector<1568x32xi32>
    %sub3A_275 = arith.subi %div3A_252, %sub3A_274 : vector<1568x32xi32>
    %select_n3A_276 = arith.select %and3A, %sub3A_275, %div3A_252 : vector<1568x32xi1>, vector<1568x32xi32>
    %convert_element_type3A_277 = arith.sitofp %select_n3A_276 : vector<1568x32xi32> to vector<1568x32xf32>
    %eq3A_278 = vector.broadcast %get3A_250 : vector<1568x1xf32> to vector<1568x32xf32>
    %eq3A_279 = arith.cmpf oeq, %convert_element_type3A_277, %eq3A_278 : vector<1568x32xf32>
    %convert_element_type3A_280 = arith.extui %eq3A_279 : vector<1568x32xi1> to vector<1568x32xi32>
    %convert_element_type3A_281 = arith.sitofp %convert_element_type3A_280 : vector<1568x32xi32> to vector<1568x32xf32>
    %mul3A_282 = arith.mulf %add3A_247, %convert_element_type3A_281 : vector<1568x32xf32>
    %get3A_283 = arith.constant 0 : index
    %get3A_284 = arith.constant 0 : index
    %get3A_285 = vector.load %arg6[%get3A_283, %get3A_284] : memref<32x8xf32, #tpu.memory_space<vmem>>, vector<32x8xf32>
    %dot_general3A_286 = arith.constant dense<0.000000e+00> : vector<1568x8xf32>
    %dot_general3A_287 = tpu.matmul %mul3A_282, %get3A_285, %dot_general3A_286 {dimension_numbers = #tpu.dot_dimension_numbers<[1], [0], [0], [1], [0, 0, 1, 1], [], []>, precision = #tpu.contract_precision<fp32>, transpose_lhs_hint = false} : vector<1568x32xf32>, vector<32x8xf32>, vector<1568x8xf32> -> vector<1568x8xf32>
    %swap3A = arith.constant 0 : index
    %swap3A_288 = arith.constant 0 : index
    %swap3A_289 = vector.load %arg13[%swap3A, %swap3A_288] : memref<1568x8xf32, #tpu.memory_space<vmem>>, vector<1568x8xf32>
    tpu.vector_store %arg13[%swap3A, %swap3A_288], %dot_general3A_287 {strides = array<i32>} : memref<1568x8xf32, #tpu.memory_space<vmem>>, vector<1568x8xf32>,
    return
  }
  func.func @transform_0(%arg0: i32) -> (i32, i32) {
    %c0_i32 = arith.constant 0 : i32
    %c0_i32_0 = arith.constant 0 : i32
    return %arg0, %c0_i32 : i32, i32
  }
  func.func @transform_1(%arg0: i32) -> (i32, i32) {
    %c0_i32 = arith.constant 0 : i32
    %c0_i32_0 = arith.constant 0 : i32
    return %arg0, %c0_i32 : i32, i32
  }
  func.func @transform_2(%arg0: i32) -> (i32, i32) {
    %c0_i32 = arith.constant 0 : i32
    %c0_i32_0 = arith.constant 0 : i32
    return %arg0, %c0_i32 : i32, i32
  }
  func.func @transform_3(%arg0: i32) -> (i32, i32) {
    %c0_i32 = arith.constant 0 : i32
    %c0_i32_0 = arith.constant 0 : i32
    return %arg0, %c0_i32 : i32, i32
  }
  func.func @transform_4(%arg0: i32) -> (i32, i32) {
    %c0_i32 = arith.constant 0 : i32
    %c0_i32_0 = arith.constant 0 : i32
    %c0_i32_1 = arith.constant 0 : i32
    return %c0_i32, %c0_i32_0 : i32, i32
  }
  func.func @transform_5(%arg0: i32) -> (i32, i32) {
    %c0_i32 = arith.constant 0 : i32
    %c0_i32_0 = arith.constant 0 : i32
    %c0_i32_1 = arith.constant 0 : i32
    return %c0_i32, %c0_i32_0 : i32, i32
  }
  func.func @transform_6(%arg0: i32) -> (i32, i32) {
    %c0_i32 = arith.constant 0 : i32
    %c0_i32_0 = arith.constant 0 : i32
    %c0_i32_1 = arith.constant 0 : i32
    return %c0_i32, %c0_i32_0 : i32, i32
  }
  func.func @transform_7(%arg0: i32) -> (i32, i32) {
    %c0_i32 = arith.constant 0 : i32
    %c0_i32_0 = arith.constant 0 : i32
    %c0_i32_1 = arith.constant 0 : i32
    return %c0_i32, %c0_i32_0 : i32, i32
  }
  func.func @transform_8(%arg0: i32) -> (i32, i32) {
    %c0_i32 = arith.constant 0 : i32
    %c0_i32_0 = arith.constant 0 : i32
    %c0_i32_1 = arith.constant 0 : i32
    return %c0_i32, %c0_i32_0 : i32, i32
  }
  func.func @transform_9(%arg0: i32) -> (i32, i32) {
    %c0_i32 = arith.constant 0 : i32
    %c0_i32_0 = arith.constant 0 : i32
    %c0_i32_1 = arith.constant 0 : i32
    return %c0_i32, %c0_i32_0 : i32, i32
  }
  func.func @transform_10(%arg0: i32) -> (i32, i32) {
    %c0_i32 = arith.constant 0 : i32
    %c0_i32_0 = arith.constant 0 : i32
    %c0_i32_1 = arith.constant 0 : i32
    return %c0_i32, %c0_i32_0 : i32, i32
  }
  func.func @transform_11(%arg0: i32) -> (i32, i32) {
    %c0_i32 = arith.constant 0 : i32
    %c0_i32_0 = arith.constant 0 : i32
    %c0_i32_1 = arith.constant 0 : i32
    return %c0_i32, %c0_i32_0 : i32, i32
  }
  func.func @transform_12(%arg0: i32) -> (i32, i32) {
    %c0_i32 = arith.constant 0 : i32
    %c0_i32_0 = arith.constant 0 : i32
    return %arg0, %c0_i32 : i32, i32
  }
}

</mosaic_0001>

<sc_bundles>
// kernel: kernel.4.cloned.1.call-start
scs
__scs_entry_jumppad:
0x0: {  	(pc) =	sbr.rel $0x88, $3  }
0x1: {  	(tag) =	ssettag $0x0;
	lr =	simm.s32 $0x1  }
0x2: {  	[smem:$0x3F9C] =	sst lr;
	_ =	strace $0xD0000000  }
0x3: {  	_ = 	snop  }
0x4: {  	_ = 	snop  }
0x5: {  	_ = 	snop  }
0x6: {  	_ = 	snop  }
0x7: {  	_ = 	snop  }
__scs_overlays_trampoline_lowered:
0x8: {  	[smem:$0x3FAB] =	sst s0  }
0x9: {  	[smem:$0x3FAC] =	sst s1  }
0xa: {  	[smem:$0x3FAD] =	sst s2  }
0xb: {  	[smem:$0x3FAE] =	sst s3  }
0xc: {  	[smem:$0x3FAF] =	sst s4  }
0xd: {  	[smem:$0x3FB0] =	sst s5  }
0xe: {  	[smem:$0x3FB1] =	sst s6  }
0xf: {  	[smem:$0x3FB2] =	sst s7  }
0x10: {  	[smem:$0x3FB3] =	sst s8  }
0x11: {  	[smem:$0x3FB4] =	sst s9;
	s0 =	simm.s32 @!p0 $0x0  }
0x12: {  	s1 =	sld [smem:$0x3F9A];
	s0 =	simm.s32 @p0 $0x1  }
0x13: {  	[smem:$0x3FB5] =	sst s0;
	s0 =	simm.s32 @!p1 $0x0  }
0x14: {  	s2 =	sld [smem:$0x3F99];
	s0 =	simm.s32 @p1 $0x1  }
0x15: {  	[smem:$0x3FB6] =	sst s0;
	s0 =	simm.s32 @!p2 $0x0  }
0x16: {  	s3 =	sld [smem:$0x3FDB];
	s0 =	simm.s32 @p2 $0x1  }
0x17: {  	s4 =	simm.s32 $0x1BF5;
	[smem:$0x3FB8] =	sst s0  }
0x18: {  	s0 =	sld [smem:$0x3F9B];
	_ =	swait.ge [sflag:s4], $0x0  }
0x19: {  	s7 =	sld [smem:$0x3F9C]  }
0x1a: {  	s8 =	sadd.s32 $0xFFFFE003, lr  }
0x1b: {  	s9 =	sadd.s32 $0xFFFFFEF7, lr;
	s5 =	simm.s32 $0xFFFFFFFF;
	p2 =	slt.u32 s8, $0xFFFFF086  }
0x1c: {  	p1 =	slt.u32 s9, $0xF7A;
	s5 =	simm.s32 @!p2 $0x0  }
0x1d: {  	s5 =	simm.s32 @p1 $0x1;
	p0 =	seq.s32 s7, s2  }
0x1e: {  	s7 =	smul.u32 @!p0 $0xF7A, s2;
	p2 =	seq.s32 @!p0 s5, $0x0  }
0x1f: {  	s9 =	smul.u32 $0xF7A, s1;
	s8 =	simm.s32 @!p0 $0x1BF5;
	p2 =	por !p2, p0  }
0x20: {  	[sflag:s8] =	ssyncset.s32 @!p0 $0xFFFFF086;
	s6 =	sadd.s32 @!p0 s3, s7;
	s7 =	simm.s32 @!p0 $0x108  }
0x21: {  	s3 =	sadd.s32 s3, s9;
	s6 =	sadd.s32 @!p0 $0x88, s6;
	s7 =	simm.s32 @p2 $0x1082  }
0x22: {  	[simem:s7], [sflag:s8] =	dma.local @!p0 [hbm:s6], $0xF7A  }
0x23: {  	s9 =	sor.u32 $0xD0000000, s2;
	s6 =	simm.s32 $0x108;
	_ =	swait.ge @!p0 [sflag:s8], $0x0  }
0x24: {  	s3 =	sadd.s32 $0x88, s3;
	s6 =	simm.s32 @!p1 $0x1082;
	[sflag:s4] =	ssyncset.s32 $0xFFFFF086  }
0x25: {  	[simem:s6], [sflag:s4] =	dma.local [hbm:s3], $0xF7A  }
0x26: {  	[smem:$0x3F9C] =	sst s1;
	(tag) =	ssettag s2;
	_ =	strace s9  }
0x27: {  	s1 =	sld [smem:$0x3FAC]  }
0x28: {  	s2 =	sld [smem:$0x3FAD]  }
0x29: {  	s4 =	sld [smem:$0x3FAF]  }
0x2a: {  	p0 =	seq.s32 s5, $0x0;
	s5 =	sld [smem:$0x3FB0]  }
0x2b: {  	s6 =	sld [smem:$0x3FB1]  }
0x2c: {  	s7 =	sld [smem:$0x3FB2]  }
0x2d: {  	s3 =	simm.s32 $0x108;
	s8 =	sld [smem:$0x3FB3]  }
0x2e: {  	s3 =	simm.s32 @!p0 $0x1082;
	s9 =	sld [smem:$0x3FB4]  }
0x2f: {  	lr =	sadd.s32 s0, s3;
	s0 =	sld [smem:$0x3FAB]  }
0x30: {  	s3 =	sld [smem:$0x3FAE]  }
0x31: {  	[smem:$0x3FB7] =	sst s10  }
0x32: {  	s10 =	sld [smem:$0x3FB5];
	_ =	sdelay $0x3  }
0x33: {  	p0 =	seq.s32 s10, $0x1;
	s10 =	sld [smem:$0x3FB7];
	_ =	sdelay $0x3  }
0x34: {  	[smem:$0x3FB7] =	sst s10  }
0x35: {  	s10 =	sld [smem:$0x3FB6];
	_ =	sdelay $0x3  }
0x36: {  	p1 =	seq.s32 s10, $0x1;
	s10 =	sld [smem:$0x3FB7];
	_ =	sdelay $0x3  }
0x37: {  	[smem:$0x3FB7] =	sst s10  }
0x38: {  	s10 =	sld [smem:$0x3FB8]  }
0x39: {  	_ = 	snop;
	(pc) =	sbr.ind lr, $3  }
0x3a: {  	_ = 	snop  }
0x3b: {  	_ = 	snop  }
0x3c: {  	p2 =	seq.s32 s10, $0x1;
	s10 =	sld [smem:$0x3FB7]  }
0x3d: {  	_ =	shalt  }
0x3e: {  	_ =	shalt  }
0x3f: {  	_ =	shalt  }
0x40: {  	_ =	shalt  }
0x41: {  	_ =	shalt  }
0x42: {  	_ =	shalt  }
0x43: {  	_ =	shalt  }
0x44: {  	_ =	shalt  }
0x45: {  	_ =	shalt  }
0x46: {  	_ =	shalt  }
0x47: {  	_ =	shalt  }
0x48: {  	_ =	shalt  }
0x49: {  	_ =	shalt  }
0x4a: {  	_ =	shalt  }
0x4b: {  	_ =	shalt  }
0x4c: {  	_ =	shalt  }
0x4d: {  	_ =	shalt  }
0x4e: {  	_ =	shalt  }
0x4f: {  	_ =	shalt  }
0x50: {  	_ =	shalt  }
0x51: {  	_ =	shalt  }
0x52: {  	_ =	shalt  }
0x53: {  	_ =	shalt  }
0x54: {  	_ =	shalt  }
0x55: {  	_ =	shalt  }
0x56: {  	_ =	shalt  }
0x57: {  	_ =	shalt  }
0x58: {  	_ =	shalt  }
0x59: {  	_ =	shalt  }
0x5a: {  	_ =	shalt  }
0x5b: {  	_ =	shalt  }
0x5c: {  	_ =	shalt  }
0x5d: {  	_ =	shalt  }
0x5e: {  	_ =	shalt  }
0x5f: {  	_ =	shalt  }
0x60: {  	_ =	shalt  }
0x61: {  	_ =	shalt  }
0x62: {  	_ =	shalt  }
0x63: {  	_ =	shalt  }
0x64: {  	_ =	shalt  }
0x65: {  	_ =	shalt  }
0x66: {  	_ =	shalt  }
0x67: {  	_ =	shalt  }
0x68: {  	_ =	shalt  }
0x69: {  	_ =	shalt  }
0x6a: {  	_ =	shalt  }
0x6b: {  	_ =	shalt  }
0x6c: {  	_ =	shalt  }
0x6d: {  	_ =	shalt  }
0x6e: {  	_ =	shalt  }
0x6f: {  	_ =	shalt  }
0x70: {  	_ =	shalt  }
0x71: {  	_ =	shalt  }
0x72: {  	_ =	shalt  }
0x73: {  	_ =	shalt  }
0x74: {  	_ =	shalt  }
0x75: {  	_ =	shalt  }
0x76: {  	_ =	shalt  }
0x77: {  	_ =	shalt  }
0x78: {  	_ =	shalt  }
0x79: {  	_ =	shalt  }
0x7a: {  	_ =	shalt  }
0x7b: {  	_ =	shalt  }
0x7c: {  	_ =	shalt  }
0x7d: {  	_ =	shalt  }
0x7e: {  	_ =	shalt  }
0x7f: {  	_ =	shalt  }
0x80: {  	_ =	shalt  }
0x81: {  	_ =	shalt  }
0x82: {  	_ =	shalt  }
0x83: {  	_ =	shalt  }
0x84: {  	_ =	shalt  }
0x85: {  	_ =	shalt  }
0x86: {  	_ =	shalt  }
0x87: {  	_ =	shalt  }
.Lfunc_end0:
.L_simem_size_0:
called_computation_lowered:
.L_overlay_start_0:
0x88: {  	s2 =	sld [smem:$0x3FD9]  }
0x89: {  	s3 =	sld [smem:$0x3FFE];
	_ =	sdelay $0x1  }
0x8a: {  	s1 =	srdreg.scid  }
0x8b: {  	s0 =	sand.u32 $0x1, s1  }
0x8c: {  	s17 =	sshll.u32 s0, $0xA;
	s2 =	sadd.s32 s3, s2  }
0x8d: {  	s2 =	sadd.s32 s2, s17  }
0x8e: {  	[smem:$0x3FC3] =	sst s2  }
0x8f: {  	_ = 	snop  }
0x90: {  	s2 =	sld [smem:$0x3FD0];
	(tm) =	ssettm $0x1  }
0x91: {  	s18 =	sld [smem:$0x3FFB];
	_ =	sdelay $0x3  }
0x92: {  	_ =	strace s18  }
0x93: {  	s3 =	sld [smem:$0x3FFC];
	_ =	sdelay $0x3  }
0x94: {  	_ =	strace s3  }
0x95: {  	s3 =	sld [smem:$0x3FFD];
	_ =	sdelay $0x3  }
0x96: {  	_ =	strace s3  }
0x97: {  	_ =	strace $0x8FFFFFFF  }
0x98: {  	s19 =	sld [smem:$0x3FDB];
	_ =	sdelay $0x1  }
0x99: {  	s4 =	simm.s32 $_scs_section_size  }
0x9a: {  	s5 =	simm.s32 $_size__tile_overlayer_lowered;
	s6 =	simm.s32 $_tile_overlayer_lowered  }
0x9b: {  	s22 =	simm.s32 $0x1BFF;
	s21 =	sshll.u32 s6, $0x1;
	s3 =	sadd.s32 s4, s19  }
0x9c: {  	s7 =	simm.s32 $0x0;
	s20 =	sshll.u32 s5, $0x1;
	s5 =	sadd.s32 s21, s3  }
0x9d: {  	[timem:s7], [sflag:s22] =	dma.local [hbm:s5], s20  }
0x9e: {  	_ =	swait.ge [sflag:s22], s20  }
0x9f: {  	s4 =	ssub.s32 $0x0, s20;
	[sflag:s22] =	ssyncset.done $0x0  }
0xa0: {  	[sflag:s22] =	ssyncadd.s32 s4;
	_ =	sdelay $0x1  }
0xa1: {  	s23 =	simm.s32 $0x1B8B  }
0xa2: {  	_ =	swait.ge [sflag:s23], $0x1  }
0xa3: {  	[sflag:s23] =	ssyncset.done $0x0  }
0xa4: {  	s25 =	simm.s32 $0x1B8E;
	s24 =	sld [smem:$0x3FFE];
	[sflag:s23] =	ssyncadd.s32 $0xFFFFFFFF  }
0xa5: {  	s26 =	simm.s32 $execute0_lowered;
	[smem:$0x3FD2] =	sst s25  }
0xa6: {  	s5 =	sshll.u32 s26, $0x1;
	_ =	strace $0x80000046;
	[dreg:$0x1] =	wrdreg $0xFFFFFFFF  }
0xa7: {  	s28 =	simm.s32 $_size_execute0_lowered;
	s3 =	sadd.s32 s3, s5;
	[dreg:$0x0] =	wrdreg $0x0  }
0xa8: {  	s5 =	sshll.u32 s28, $0x1;
	[dreg:$0x2] =	wrdreg s3  }
0xa9: {  	[dreg:$0x3] =	wrdreg s5  }
0xaa: {  	[dreg:$0x4] =	wrdreg $0xC0  }
0xab: {  	_ =	task [dreg:s7], $0x5FFFF  }
0xac: {  	[dreg:$0x1] =	wrdreg $0xFFFFFFFF  }
0xad: {  	[dreg:$0x0] =	wrdreg $0x60  }
0xae: {  	[dreg:$0x2] =	wrdreg s2  }
0xaf: {  	[dreg:$0x3] =	wrdreg s24  }
0xb0: {  	[dreg:$0x4] =	wrdreg $0x9  }
0xb1: {  	_ =	task.clear_ibuf [dreg:s7], $0x5FFFF;
	_ =	strace $0x90000046  }
0xb2: {  	s29 =	simm.s32 $0x9;
	_ =	strace $0x80000048  }
0xb3: {  	_ =	swait.ge [sflag:s29], $0x1  }
0xb4: {  	[sflag:s29] =	ssyncadd.s32 $0xFFFFFFFF  }
0xb5: {  	_ =	strace $0x90000048  }
0xb6: {  	_ =	sfence  }
0xb7: {  	s30 =	sld [smem:$0x0];
	_ =	sdelay $0x2  }
0xb8: {  	s31 =	sshll.u32 s1, $0xD;
	s1 =	sshrl.u32 s1, $0x2  }
0xb9: {  	s3 =	sand.u32 $0x4000, s31;
	s1 =	sadd.s32 s1, s30  }
0xba: {  	s0 =	sor.u32 s3, s0;
	s1 =	sshll.u32 s1, $0x11  }
0xbb: {  	s0 =	sor.u32 s1, s0  }
0xbc: {  	s0 =	sadd.s32 $0x8F2B, s0  }
0xbd: {  	[sflag:s0] =	ssyncadd.remote.s32 $0x1  }
0xbe: {  	_ =	sfence.sel $0xFFFF  }
0xbf: {  	[dreg:$0x0] =	wrdreg $0xFFFFFFFF;
	(pc) =	sbr.abs _section_cstart, $3  }
0xc0: {  	[dreg:$0x1] =	wrdreg $0xFFFFFFFF  }
0xc1: {  	_ =	task.clear_ibuf [dreg:s7], $0x2FFFF;
	_ =	strace $0x9FFFFFFF  }
0xc2: {  	(tm) =	ssettm $0x7FFFFFFF  }
0xc3: {  	_ =	shalt  }
tec
execute0_lowered:
.L_overlay_start_1:
0x0: {  	(tag) =	ssettag $0x1  }
0x1: {  	s1 =	srdreg.scid  }
0x2: {  	s0 =	stileid.u32;
	s2 =	rddreg [dreg:$0x0]  }
0x3: {  	s4 =	rddreg [dreg:$0x1];
	s11 =	simm.s32 $0x620;
	s12 =	simm.s32 $0xC400  }
0x4: {  	s13 =	simm.s32 $0xF500;
	s15 =	simm.s32 $0x12600;
	s16 =	simm.s32 $0x1  }
0x5: {  	s17 =	simm.s32 $0x15700;
	s18 =	simm.s32 $0x2;
	s19 =	simm.s32 $0x3  }
0x6: {  	s20 =	simm.s32 $0x4;
	s21 =	simm.s32 $0x5;
	s22 =	simm.s32 $0x6  }
0x7: {  	s23 =	simm.s32 $0x7;
	s24 =	simm.s32 $0x8;
	s6 =	smul.u32 $0xC40, s0  }
0x8: {  	s25 =	simm.s32 $0x0;
	s1 =	sand.u32 $0x1, s1;
	s29 =	smul.u32 $0x18800, s0  }
0x9: {  	s3 =	sshll.u32 s0, $0x1;
	s10 =	sadd.s32 $0x32600, s4;
	s8 =	smul.u32 $0x620, s1  }
0xa: {  	s3 =	sor.u32 s1, s3;
	s7 =	ssub.s32 $0x2, s1;
	s1 =	smul.u32 $0xC400, s1  }
0xb: {  	s5 =	smul.u32 $0x1880, s3;
	s3 =	simm.s32 $0x0;
	s9 =	sshrl.u32 s7, $0x1  }
0xc: {  	[smem:$0x7FF] =	sst s3;
	s7 =	ssub.s32 s7, s9;
	s6 =	sadd.s32 s8, s6  }
.Ltmp0:
0xd: {  	s8 =	sadd.s32 s29, s10;
	_ =	strace $0x80000047;
	(pc) =	sbr.rel .LBB2_1-.Ltmp0, $4  }
0xe: {  	s5 =	sadd.s32 s5, s4;
	s6 =	sshll.u32 s6, $0x5;
	s30 =	smax.u32 s7, $0x1  }
0xf: {  	s8 =	sadd.s32 s1, s8;
	s28 =	sadd.s32 $0x1600, s5;
	[dreg:$0x4] =	wrdreg s30  }
0x10: {  	s31 =	sadd.s32 s10, s6;
	s10 =	simm.s32 $0x9;
	[dreg:$0x3] =	wrdreg s28  }
0x11: {  	s6 =	sadd.s32 $0xC40, s31;
	s7 =	sadd.s32 $0x620, s31;
	s9 =	sadd.s32 $0x1260, s31  }
.LBB2_4:
0x12: {  	_ =	swait.ge [sflag:s21], $0x3100  }
0x13: {  	[sflag:s21] =	ssyncset.done $0x0  }
0x14: {  	[sflag:s21] =	ssyncadd.s32 $0xFFFFCF00  }
0x15: {  	_ =	swait.ge [sflag:s22], $0x3100  }
0x16: {  	[sflag:s22] =	ssyncset.done $0x0  }
0x17: {  	[sflag:s22] =	ssyncadd.s32 $0xFFFFCF00  }
0x18: {  	_ =	swait.ge [sflag:s23], $0x3100  }
0x19: {  	[sflag:s23] =	ssyncset.done $0x0  }
0x1a: {  	[sflag:s23] =	ssyncadd.s32 $0xFFFFCF00  }
0x1b: {  	_ =	swait.ge [sflag:s24], $0x3100  }
0x1c: {  	s25 =	sadd.s32 $0x1, s25;
	s0 =	rddreg [dreg:$0x4]  }
0x1d: {  	p0 =	sne.s32 s25, s0  }
.Ltmp1:
0x1e: {  	_ = 	snop;
	(pc) =	sbr.rel @!p0 .LBB2_5-.Ltmp1, $3  }
0x1f: {  	_ =	sdelay $0x1  }
0x20: {  	[sflag:s24] =	ssyncset.done $0x0  }
0x21: {  	[sflag:s24] =	ssyncadd.s32 $0xFFFFCF00  }
.LBB2_1:
0x22: {  	s0 =	rddreg [dreg:$0x3]  }
0x23: {  	[tilespmem:s3], [sflag:$0x9] =	stream.linear.gather [hbm4b:s0+s3], $0xC400, $0x38;
	[tilespmem:$0x18800] =	vst v63  }
0x24: {  	_ =	swait.ge [sflag:s10], $0xC400  }
0x25: {  	[sflag:s10] =	ssyncset.done $0x0  }
0x26: {  	[sflag:s10] =	ssyncadd.s32 $0xFFFF3C00  }
0x27: {  	[tilespmem:s12], [sflag:$0x1] =	stream.indirect.gather [hbm4b:s2+s11], $0x8, s3, s11, $0xb8;
	[tilespmem:$0x18800] =	vst v63  }
0x28: {  	_ = 	snop  }
0x29: {  	[tilespmem:s13], [sflag:$0x2] =	stream.indirect.gather [hbm4b:s2+s11], $0x8, s11, s11, $0xb8;
	[tilespmem:$0x18800] =	vst v63  }
0x2a: {  	s26 =	simm.s32 $0xC40;
	s28 =	smov.u32 s8;
	s29 =	smov.u32 s7  }
0x2b: {  	[tilespmem:s15], [sflag:$0x3] =	stream.indirect.gather [hbm4b:s2+s11], $0x8, s26, s11, $0xb8;
	[tilespmem:$0x18800] =	vst v63  }
0x2c: {  	s30 =	smov.u32 s6;
	s31 =	simm.s32 $0x0;
	s26 =	smov.u32 s9  }
.LBB2_2:
0x2d: {  	_ =	swait.ge [sflag:s16], $0x3100  }
0x2e: {  	p0 =	seq.s32 s31, $0x0;
	[sflag:s16] =	ssyncset.done $0x0  }
0x2f: {  	s0 =	simm.s32 @!p0 $0x8;
	[sflag:s16] =	ssyncadd.s32 $0xFFFFCF00  }
0x30: {  	[hbm4b:s28+s3] =	stream.linear.scatter [tilespmem:s12], [sflag:$0x5], $0x3100, $0x38;
	[tilespmem:$0x18800] =	vst v63  }
0x31: {  	_ =	swait.ge @!p0 [sflag:s0], $0x3100  }
0x32: {  	s1 =	sshra.s32 s31, $0x2;
	[sflag:s0] =	ssyncset.done @!p0 $0x0  }
0x33: {  	s14 =	sadd.s32 $0x1260, s1;
	[sflag:s0] =	ssyncadd.s32 @!p0 $0xFFFFCF00  }
0x34: {  	[tilespmem:s17], [sflag:$0x4] =	stream.indirect.gather [hbm4b:s2+s11], $0x8, s14, s11, $0xb8;
	[tilespmem:$0x18800] =	vst v63  }
0x35: {  	_ =	swait.ge [sflag:s18], $0x3100  }
0x36: {  	p0 =	seq.s32 s31, $0x2AE00;
	[sflag:s18] =	ssyncset.done $0x0  }
0x37: {  	s0 =	simm.s32 @!p0 $0x5;
	[sflag:s18] =	ssyncadd.s32 $0xFFFFCF00  }
0x38: {  	[hbm4b:s29+s3] =	stream.linear.scatter [tilespmem:s13], [sflag:$0x6], $0x3100, $0x38;
	[tilespmem:$0x18800] =	vst v63  }
0x39: {  	_ =	swait.ge @!p0 [sflag:s0], $0x3100  }
0x3a: {  	[sflag:s0] =	ssyncset.done @!p0 $0x0  }
0x3b: {  	[sflag:s0] =	ssyncadd.s32 @!p0 $0xFFFFCF00;
	s0 =	sshra.s32 @!p0 s31, $0x2  }
0x3c: {  	s4 =	simm.s32 @!p0 $0x620;
	s5 =	simm.s32 @!p0 $0xC400;
	s14 =	sadd.s32 @!p0 $0x1880, s0  }
0x3d: {  	[tilespmem:s5], [sflag:$0x1] =	stream.indirect.gather @!p0 [hbm4b:s2+s4], $0x8, s14, s4, $0xb8;
	[tilespmem:$0x18800] =	vst v63  }
0x3e: {  	_ =	swait.ge [sflag:s19], $0x3100  }
0x3f: {  	[sflag:s19] =	ssyncset.done $0x0  }
0x40: {  	s5 =	simm.s32 @!p0 $0x6;
	[sflag:s19] =	ssyncadd.s32 $0xFFFFCF00  }
0x41: {  	[hbm4b:s30+s3] =	stream.linear.scatter [tilespmem:s15], [sflag:$0x7], $0x3100, $0x38;
	[tilespmem:$0x18800] =	vst v63  }
0x42: {  	_ =	swait.ge @!p0 [sflag:s5], $0x3100  }
0x43: {  	[sflag:s5] =	ssyncset.done @!p0 $0x0  }
0x44: {  	s0 =	sadd.s32 @!p0 $0x1EA0, s0;
	[sflag:s5] =	ssyncadd.s32 @!p0 $0xFFFFCF00;
	s5 =	simm.s32 @!p0 $0xF500  }
0x45: {  	[tilespmem:s5], [sflag:$0x2] =	stream.indirect.gather @!p0 [hbm4b:s2+s4], $0x8, s0, s4, $0xb8;
	[tilespmem:$0x18800] =	vst v63  }
.Ltmp2:
0x46: {  	_ = 	snop;
	(pc) =	sbr.rel @p0 .LBB2_4-.Ltmp2, $4  }
0x47: {  	_ =	swait.ge [sflag:s20], $0x3100  }
0x48: {  	[sflag:s20] =	ssyncset.done $0x0  }
0x49: {  	[sflag:s20] =	ssyncadd.s32 $0xFFFFCF00  }
0x4a: {  	[hbm4b:s26+s3] =	stream.linear.scatter [tilespmem:s17], [sflag:$0x8], $0x3100, $0x38;
	[tilespmem:$0x18800] =	vst v63  }
.Ltmp3:
0x4b: {  	(pc) =	sbr.rel .LBB2_2-.Ltmp3, $4  }
0x4c: {  	_ =	swait.ge [sflag:s23], $0x3100;
	s0 =	sadd.s32 $0x24C0, s1;
	s31 =	sadd.s32 $0x6200, s31  }
0x4d: {  	s30 =	sadd.s32 $0x1880, s30;
	s29 =	sadd.s32 $0x1880, s29;
	[sflag:s23] =	ssyncset.done $0x0  }
0x4e: {  	s28 =	sadd.s32 $0x1880, s28;
	s26 =	sadd.s32 $0x1880, s26;
	[sflag:s23] =	ssyncadd.s32 $0xFFFFCF00  }
0x4f: {  	[tilespmem:s15], [sflag:$0x3] =	stream.indirect.gather [hbm4b:s2+s11], $0x8, s0, s11, $0xb8;
	[tilespmem:$0x18800] =	vst v63  }
.LBB2_5:
0x50: {  	_ =	sfence.sel $0x180000  }
0x51: {  	[bflag:$0x0] =	sbarrier.arrive $0xFFFF  }
0x52: {  	_ =	strace $0x90000047  }
0x53: {  	s0 =	stileid.u32;
	[bflag:$0x2] =	sbarrier.arrive $0xFFFF  }
0x54: {  	p0 =	sne.s32 s0, $0x0;
	s0 =	rddreg [dreg:$0x2]  }
0x55: {  	s0 =	sadd.s32 @!p0 $0x100000, s0  }
0x56: {  	[sflag:s0] =	ssyncadd.tile.s32 @!p0 $0x1;
	_ =	shalt  }
.Lfunc_end2:
_tile_overlayer_lowered:
.L_overlay_start_2:
0x57: {  	(tag) =	ssettag $0x2  }
0x58: {  	s0 =	rddreg [dreg:$0x0];
	s2 =	stileid.u32  }
0x59: {  	s1 =	rddreg [dreg:$0x1];
	p0 =	sne.s32 s2, $0x0  }
0x5a: {  	s3 =	rddreg [dreg:$0x2];
	[bflag:$0x3] =	sbarrier.arrive $0xFFFF;
	s2 =	simm.s32 @!p0 $0x1C09  }
0x5b: {  	[timem:s3], [sflag:s2] =	dma.local @!p0 [hbm:s0], s1  }
0x5c: {  	s0 =	simm.s32 @!p0 $0x9  }
0x5d: {  	_ =	swait.ge @!p0 [sflag:s0], s1  }
0x5e: {  	s1 =	ssub.s32 @!p0 $0x0, s1;
	[sflag:s0] =	ssyncset.done @!p0 $0x0  }
0x5f: {  	[sflag:s0] =	ssyncadd.s32 @!p0 s1  }
0x60: {  	[bflag:$0x3] =	sbarrier.arrive $0xFFFF  }
0x61: {  	_ =	shalt  }

</sc_bundles>
